<compile_context>
chip_gen: v7x
topology: tpu7x:2x2x1
jax: 0.10.2.dev20260603
libtpu: 0.0.44.dev20260713+nightly
codegen_flags: <defaults>
</compile_context>

<pallas_src>
import functools

import jax
import jax.numpy as jnp
from jax import lax
from jax.experimental import pallas as pl
from jax.experimental.pallas import tpu as pltpu
from jax.experimental.pallas import tpu_sc as plsc

_NUM_TOKENS = 2048
_NUM_SLOTS = 8192
_NUM_HEADS = 16
_HEAD_SIZE = 128

_NC = 2
_NS = 16
_NW = _NC * _NS
_TOK_PER_W = _NUM_TOKENS // _NW
_CHUNK = 16
_NCH = _TOK_PER_W // _CHUNK

_mesh = plsc.VectorSubcoreMesh(
    core_axis_name="c", subcore_axis_name="s", num_cores=_NC, num_subcores=_NS)


@functools.partial(
    pl.kernel,
    out_type=(),
    mesh=_mesh,
    scratch_types=[
        pltpu.VMEM((_NCH, _CHUNK), jnp.int32),
        pltpu.VMEM((2, _CHUNK, _NUM_HEADS, _HEAD_SIZE), jnp.float32),
        pltpu.SemaphoreType.DMA,
        pltpu.SemaphoreType.DMA,
    ],
)
def _sc_scatter(key_hbm, value_hbm, slots_hbm, kout, vout,
                idx, rows, sem0, sem1):
    wid = lax.axis_index("s") * _NC + lax.axis_index("c")
    base = wid * _TOK_PER_W
    sems = (sem0, sem1)
    scats = [None, None]
    idx_cps = [
        pltpu.async_copy(slots_hbm.at[pl.ds(base + c * _CHUNK, _CHUNK)],
                         idx.at[c], sem0)
        for c in range(_NCH)
    ]
    for cp in idx_cps:
        cp.wait()
    for ch in range(_NCH):
        off = base + ch * _CHUNK
        for half, (tok, out) in enumerate(((key_hbm, kout),
                                           (value_hbm, vout))):
            i = 2 * ch + half
            b = i % 2
            if scats[b] is not None:
                scats[b].wait()
            pltpu.sync_copy(tok.at[pl.ds(off, _CHUNK)], rows.at[b])
            scats[b] = pltpu.async_copy(rows.at[b], out.at[idx.at[ch]],
                                        sems[b])
    scats[0].wait()
    scats[1].wait()


def kernel(key, key_cache, slot_mapping, value, value_cache):
    kc = jax.new_ref(key_cache)
    vc = jax.new_ref(value_cache)
    _sc_scatter(key, value, slot_mapping, kc, vc)
    return (jax.freeze(kc), jax.freeze(vc))

# --- scband reference (transcript-rebuilt; emitter-appended) ---
"""Pipeline reference for scband-model-21260088115737 (READ-ONLY COPY).

The authoritative reference and input builder live on the scoring server;
editing this copy changes nothing except your own understanding.
"""

import jax, jax.numpy as jnp
import numpy as np

NUM_TOKENS = 2048
NUM_SLOTS = 8192
NUM_HEADS = 16
HEAD_SIZE = 128


def setup_inputs() -> dict:
    root = jax.random.key(0)
    k1, k2 = jax.random.split(root)
    key = jax.random.normal(k1, (NUM_TOKENS, NUM_HEADS, HEAD_SIZE), dtype=jnp.float32)
    value = jax.random.normal(k2, (NUM_TOKENS, NUM_HEADS, HEAD_SIZE), dtype=jnp.float32)
    key_cache = jnp.zeros((NUM_SLOTS, NUM_HEADS, HEAD_SIZE), dtype=jnp.float32)
    value_cache = jnp.zeros((NUM_SLOTS, NUM_HEADS, HEAD_SIZE), dtype=jnp.float32)
    # slot_mapping: one distinct cache slot per incoming token (values < NUM_SLOTS)
    slot_mapping = jnp.arange(NUM_TOKENS, dtype=jnp.int32)
    return {
        "key": key,
        "key_cache": key_cache,
        "slot_mapping": slot_mapping,
        "value": value,
        "value_cache": value_cache,
    }


def reference(key, key_cache, slot_mapping, value, value_cache):
    # Faithful translation of npu_scatter_pa_kv_cache: scatter-overwrite each
    # token's K and V vectors into the paged KV caches at the slots given by
    # slot_mapping, returning the updated caches (the torch module clones the
    # caches before the in-place scatter, so this is functionally identical).
    key_cache_updated = key_cache.at[slot_mapping].set(key)
    value_cache_updated = value_cache.at[slot_mapping].set(value)
    return (key_cache_updated, value_cache_updated)

if __name__ == "__main__":
    import jax
    _d = setup_inputs()
    print(jax.jit(kernel)(*tuple(_d.values())))

</pallas_src>

<mosaic_0001>
#map = affine_map<(d0, d1) -> (0, 0, 0)>
#map1 = affine_map<(d0, d1) -> (0)>
module attributes {stable_mosaic.version = 14 : i64} {
  func.func @new_body(%arg0: i32, %arg1: i32, %arg2: memref<2048x16x128xf32, #tpu.memory_space<hbm>>, %arg3: memref<2048x16x128xf32, #tpu.memory_space<hbm>>, %arg4: memref<2048xi32, #tpu.memory_space<hbm>>, %arg5: memref<8192x16x128xf32, #tpu.memory_space<hbm>>, %arg6: memref<8192x16x128xf32, #tpu.memory_space<hbm>>, %arg7: memref<8192x16x128xf32, #tpu.memory_space<hbm>>, %arg8: memref<8192x16x128xf32, #tpu.memory_space<hbm>>, %arg9: memref<4x16xi32, #tpu.memory_space<vmem>>, %arg10: memref<2x16x16x128xf32, #tpu.memory_space<vmem>>, %arg11: memref<!tpu.dma_semaphore, #tpu.memory_space<semaphore_mem>>, %arg12: memref<!tpu.dma_semaphore, #tpu.memory_space<semaphore_mem>>) attributes {dimension_semantics = [#tpu.dimension_semantics<core_parallel>, #tpu.dimension_semantics<subcore_parallel>], iteration_bounds = array<i64: 2, 16>, scalar_prefetch = 0 : i64, scratch_operands = 4 : i64, tpu.core_type = #tpu.core_type<sc_vector_subcore>, window_params = [{transform_indices = #map}, {transform_indices = #map}, {transform_indices = #map1}, {transform_indices = #map}, {transform_indices = #map}, {transform_indices = #map}, {transform_indices = #map}]} {
    %mul3A = arith.constant 2 : i32
    %mul3A_0 = arith.muli %arg1, %mul3A : i32
    %add3A = arith.addi %mul3A_0, %arg0 : i32
    %mul3A_1 = arith.constant 64 : i32
    %mul3A_2 = arith.muli %add3A, %mul3A_1 : i32
    %add3A_3 = arith.constant 0 : i32
    %add3A_4 = arith.addi %mul3A_2, %add3A_3 : i32
    %dma_start3A = arith.constant 0 : i32
    %dma_start3A_5 = arith.constant 0 : i32
    %dma_start3A_6 = tpu.memref_slice %arg9[%dma_start3A, %dma_start3A_5] : memref<4x16xi32, #tpu.memory_space<vmem>> -> memref<1x16xi32, #tpu.memory_space<vmem>>
    %dma_start3A_7 = tpu.memref_squeeze %dma_start3A_6 : memref<1x16xi32, #tpu.memory_space<vmem>> -> memref<16xi32, #tpu.memory_space<vmem>>
    %dma_start3A_8 = tpu.memref_slice %arg4[%add3A_4] : memref<2048xi32, #tpu.memory_space<hbm>> -> memref<16xi32, #tpu.memory_space<hbm>>
    %dma_start3A_9 = arith.constant 0 : i32
    %dma_start3A_10 = tpu.memref_slice %arg9[%dma_start3A, %dma_start3A_9] : memref<4x16xi32, #tpu.memory_space<vmem>> -> memref<1x16xi32, #tpu.memory_space<vmem>>
    %dma_start3A_11 = tpu.memref_squeeze %dma_start3A_10 : memref<1x16xi32, #tpu.memory_space<vmem>> -> memref<16xi32, #tpu.memory_space<vmem>>
    %dma_start3A_12 = tpu.memref_slice %arg4[%add3A_4] : memref<2048xi32, #tpu.memory_space<hbm>> -> memref<16xi32, #tpu.memory_space<hbm>>
    tpu.enqueue_dma source(%dma_start3A_12 : memref<16xi32, #tpu.memory_space<hbm>>) target(%dma_start3A_11 : memref<16xi32, #tpu.memory_space<vmem>>) target_semaphore(%arg11 : memref<!tpu.dma_semaphore, #tpu.memory_space<semaphore_mem>>)
    %add3A_13 = arith.constant 16 : i32
    %add3A_14 = arith.addi %mul3A_2, %add3A_13 : i32
    %dma_start3A_15 = arith.constant 1 : i32
    %dma_start3A_16 = arith.constant 0 : i32
    %dma_start3A_17 = tpu.memref_slice %arg9[%dma_start3A_15, %dma_start3A_16] : memref<4x16xi32, #tpu.memory_space<vmem>> -> memref<1x16xi32, #tpu.memory_space<vmem>>
    %dma_start3A_18 = tpu.memref_squeeze %dma_start3A_17 : memref<1x16xi32, #tpu.memory_space<vmem>> -> memref<16xi32, #tpu.memory_space<vmem>>
    %dma_start3A_19 = tpu.memref_slice %arg4[%add3A_14] : memref<2048xi32, #tpu.memory_space<hbm>> -> memref<16xi32, #tpu.memory_space<hbm>>
    %dma_start3A_20 = arith.constant 0 : i32
    %dma_start3A_21 = tpu.memref_slice %arg9[%dma_start3A_15, %dma_start3A_20] : memref<4x16xi32, #tpu.memory_space<vmem>> -> memref<1x16xi32, #tpu.memory_space<vmem>>
    %dma_start3A_22 = tpu.memref_squeeze %dma_start3A_21 : memref<1x16xi32, #tpu.memory_space<vmem>> -> memref<16xi32, #tpu.memory_space<vmem>>
    %dma_start3A_23 = tpu.memref_slice %arg4[%add3A_14] : memref<2048xi32, #tpu.memory_space<hbm>> -> memref<16xi32, #tpu.memory_space<hbm>>
    tpu.enqueue_dma source(%dma_start3A_23 : memref<16xi32, #tpu.memory_space<hbm>>) target(%dma_start3A_22 : memref<16xi32, #tpu.memory_space<vmem>>) target_semaphore(%arg11 : memref<!tpu.dma_semaphore, #tpu.memory_space<semaphore_mem>>)
    %add3A_24 = arith.constant 32 : i32
    %add3A_25 = arith.addi %mul3A_2, %add3A_24 : i32
    %dma_start3A_26 = arith.constant 2 : i32
    %dma_start3A_27 = arith.constant 0 : i32
    %dma_start3A_28 = tpu.memref_slice %arg9[%dma_start3A_26, %dma_start3A_27] : memref<4x16xi32, #tpu.memory_space<vmem>> -> memref<1x16xi32, #tpu.memory_space<vmem>>
    %dma_start3A_29 = tpu.memref_squeeze %dma_start3A_28 : memref<1x16xi32, #tpu.memory_space<vmem>> -> memref<16xi32, #tpu.memory_space<vmem>>
    %dma_start3A_30 = tpu.memref_slice %arg4[%add3A_25] : memref<2048xi32, #tpu.memory_space<hbm>> -> memref<16xi32, #tpu.memory_space<hbm>>
    %dma_start3A_31 = arith.constant 0 : i32
    %dma_start3A_32 = tpu.memref_slice %arg9[%dma_start3A_26, %dma_start3A_31] : memref<4x16xi32, #tpu.memory_space<vmem>> -> memref<1x16xi32, #tpu.memory_space<vmem>>
    %dma_start3A_33 = tpu.memref_squeeze %dma_start3A_32 : memref<1x16xi32, #tpu.memory_space<vmem>> -> memref<16xi32, #tpu.memory_space<vmem>>
    %dma_start3A_34 = tpu.memref_slice %arg4[%add3A_25] : memref<2048xi32, #tpu.memory_space<hbm>> -> memref<16xi32, #tpu.memory_space<hbm>>
    tpu.enqueue_dma source(%dma_start3A_34 : memref<16xi32, #tpu.memory_space<hbm>>) target(%dma_start3A_33 : memref<16xi32, #tpu.memory_space<vmem>>) target_semaphore(%arg11 : memref<!tpu.dma_semaphore, #tpu.memory_space<semaphore_mem>>)
    %add3A_35 = arith.constant 48 : i32
    %add3A_36 = arith.addi %mul3A_2, %add3A_35 : i32
    %dma_start3A_37 = arith.constant 3 : i32
    %dma_start3A_38 = arith.constant 0 : i32
    %dma_start3A_39 = tpu.memref_slice %arg9[%dma_start3A_37, %dma_start3A_38] : memref<4x16xi32, #tpu.memory_space<vmem>> -> memref<1x16xi32, #tpu.memory_space<vmem>>
    %dma_start3A_40 = tpu.memref_squeeze %dma_start3A_39 : memref<1x16xi32, #tpu.memory_space<vmem>> -> memref<16xi32, #tpu.memory_space<vmem>>
    %dma_start3A_41 = tpu.memref_slice %arg4[%add3A_36] : memref<2048xi32, #tpu.memory_space<hbm>> -> memref<16xi32, #tpu.memory_space<hbm>>
    %dma_start3A_42 = arith.constant 0 : i32
    %dma_start3A_43 = tpu.memref_slice %arg9[%dma_start3A_37, %dma_start3A_42] : memref<4x16xi32, #tpu.memory_space<vmem>> -> memref<1x16xi32, #tpu.memory_space<vmem>>
    %dma_start3A_44 = tpu.memref_squeeze %dma_start3A_43 : memref<1x16xi32, #tpu.memory_space<vmem>> -> memref<16xi32, #tpu.memory_space<vmem>>
    %dma_start3A_45 = tpu.memref_slice %arg4[%add3A_36] : memref<2048xi32, #tpu.memory_space<hbm>> -> memref<16xi32, #tpu.memory_space<hbm>>
    tpu.enqueue_dma source(%dma_start3A_45 : memref<16xi32, #tpu.memory_space<hbm>>) target(%dma_start3A_44 : memref<16xi32, #tpu.memory_space<vmem>>) target_semaphore(%arg11 : memref<!tpu.dma_semaphore, #tpu.memory_space<semaphore_mem>>)
    %dma_wait3A = arith.constant 0 : i32
    %dma_wait3A_46 = arith.constant 0 : i32
    %dma_wait3A_47 = tpu.memref_slice %arg9[%dma_wait3A, %dma_wait3A_46] : memref<4x16xi32, #tpu.memory_space<vmem>> -> memref<1x16xi32, #tpu.memory_space<vmem>>
    %dma_wait3A_48 = tpu.memref_squeeze %dma_wait3A_47 : memref<1x16xi32, #tpu.memory_space<vmem>> -> memref<16xi32, #tpu.memory_space<vmem>>
    %dma_wait3A_49 = tpu.memref_slice %arg4[%add3A_4] : memref<2048xi32, #tpu.memory_space<hbm>> -> memref<16xi32, #tpu.memory_space<hbm>>
    %dma_wait3A_50 = arith.constant 0 : i32
    %dma_wait3A_51 = tpu.memref_slice %arg9[%dma_wait3A, %dma_wait3A_50] : memref<4x16xi32, #tpu.memory_space<vmem>> -> memref<1x16xi32, #tpu.memory_space<vmem>>
    %dma_wait3A_52 = tpu.memref_squeeze %dma_wait3A_51 : memref<1x16xi32, #tpu.memory_space<vmem>> -> memref<16xi32, #tpu.memory_space<vmem>>
    %dma_wait3A_53 = tpu.memref_slice %arg4[%add3A_4] : memref<2048xi32, #tpu.memory_space<hbm>> -> memref<16xi32, #tpu.memory_space<hbm>>
    tpu.wait_dma2 semaphore(%arg11 : memref<!tpu.dma_semaphore, #tpu.memory_space<semaphore_mem>>) src(%dma_wait3A_53 : memref<16xi32, #tpu.memory_space<hbm>>) dst(%dma_wait3A_52 : memref<16xi32, #tpu.memory_space<vmem>>)
    %dma_wait3A_54 = arith.constant 1 : i32
    %dma_wait3A_55 = arith.constant 0 : i32
    %dma_wait3A_56 = tpu.memref_slice %arg9[%dma_wait3A_54, %dma_wait3A_55] : memref<4x16xi32, #tpu.memory_space<vmem>> -> memref<1x16xi32, #tpu.memory_space<vmem>>
    %dma_wait3A_57 = tpu.memref_squeeze %dma_wait3A_56 : memref<1x16xi32, #tpu.memory_space<vmem>> -> memref<16xi32, #tpu.memory_space<vmem>>
    %dma_wait3A_58 = tpu.memref_slice %arg4[%add3A_14] : memref<2048xi32, #tpu.memory_space<hbm>> -> memref<16xi32, #tpu.memory_space<hbm>>
    %dma_wait3A_59 = arith.constant 0 : i32
    %dma_wait3A_60 = tpu.memref_slice %arg9[%dma_wait3A_54, %dma_wait3A_59] : memref<4x16xi32, #tpu.memory_space<vmem>> -> memref<1x16xi32, #tpu.memory_space<vmem>>
    %dma_wait3A_61 = tpu.memref_squeeze %dma_wait3A_60 : memref<1x16xi32, #tpu.memory_space<vmem>> -> memref<16xi32, #tpu.memory_space<vmem>>
    %dma_wait3A_62 = tpu.memref_slice %arg4[%add3A_14] : memref<2048xi32, #tpu.memory_space<hbm>> -> memref<16xi32, #tpu.memory_space<hbm>>
    tpu.wait_dma2 semaphore(%arg11 : memref<!tpu.dma_semaphore, #tpu.memory_space<semaphore_mem>>) src(%dma_wait3A_62 : memref<16xi32, #tpu.memory_space<hbm>>) dst(%dma_wait3A_61 : memref<16xi32, #tpu.memory_space<vmem>>)
    %dma_wait3A_63 = arith.constant 2 : i32
    %dma_wait3A_64 = arith.constant 0 : i32
    %dma_wait3A_65 = tpu.memref_slice %arg9[%dma_wait3A_63, %dma_wait3A_64] : memref<4x16xi32, #tpu.memory_space<vmem>> -> memref<1x16xi32, #tpu.memory_space<vmem>>
    %dma_wait3A_66 = tpu.memref_squeeze %dma_wait3A_65 : memref<1x16xi32, #tpu.memory_space<vmem>> -> memref<16xi32, #tpu.memory_space<vmem>>
    %dma_wait3A_67 = tpu.memref_slice %arg4[%add3A_25] : memref<2048xi32, #tpu.memory_space<hbm>> -> memref<16xi32, #tpu.memory_space<hbm>>
    %dma_wait3A_68 = arith.constant 0 : i32
    %dma_wait3A_69 = tpu.memref_slice %arg9[%dma_wait3A_63, %dma_wait3A_68] : memref<4x16xi32, #tpu.memory_space<vmem>> -> memref<1x16xi32, #tpu.memory_space<vmem>>
    %dma_wait3A_70 = tpu.memref_squeeze %dma_wait3A_69 : memref<1x16xi32, #tpu.memory_space<vmem>> -> memref<16xi32, #tpu.memory_space<vmem>>
    %dma_wait3A_71 = tpu.memref_slice %arg4[%add3A_25] : memref<2048xi32, #tpu.memory_space<hbm>> -> memref<16xi32, #tpu.memory_space<hbm>>
    tpu.wait_dma2 semaphore(%arg11 : memref<!tpu.dma_semaphore, #tpu.memory_space<semaphore_mem>>) src(%dma_wait3A_71 : memref<16xi32, #tpu.memory_space<hbm>>) dst(%dma_wait3A_70 : memref<16xi32, #tpu.memory_space<vmem>>)
    %dma_wait3A_72 = arith.constant 3 : i32
    %dma_wait3A_73 = arith.constant 0 : i32
    %dma_wait3A_74 = tpu.memref_slice %arg9[%dma_wait3A_72, %dma_wait3A_73] : memref<4x16xi32, #tpu.memory_space<vmem>> -> memref<1x16xi32, #tpu.memory_space<vmem>>
    %dma_wait3A_75 = tpu.memref_squeeze %dma_wait3A_74 : memref<1x16xi32, #tpu.memory_space<vmem>> -> memref<16xi32, #tpu.memory_space<vmem>>
    %dma_wait3A_76 = tpu.memref_slice %arg4[%add3A_36] : memref<2048xi32, #tpu.memory_space<hbm>> -> memref<16xi32, #tpu.memory_space<hbm>>
    %dma_wait3A_77 = arith.constant 0 : i32
    %dma_wait3A_78 = tpu.memref_slice %arg9[%dma_wait3A_72, %dma_wait3A_77] : memref<4x16xi32, #tpu.memory_space<vmem>> -> memref<1x16xi32, #tpu.memory_space<vmem>>
    %dma_wait3A_79 = tpu.memref_squeeze %dma_wait3A_78 : memref<1x16xi32, #tpu.memory_space<vmem>> -> memref<16xi32, #tpu.memory_space<vmem>>
    %dma_wait3A_80 = tpu.memref_slice %arg4[%add3A_36] : memref<2048xi32, #tpu.memory_space<hbm>> -> memref<16xi32, #tpu.memory_space<hbm>>
    tpu.wait_dma2 semaphore(%arg11 : memref<!tpu.dma_semaphore, #tpu.memory_space<semaphore_mem>>) src(%dma_wait3A_80 : memref<16xi32, #tpu.memory_space<hbm>>) dst(%dma_wait3A_79 : memref<16xi32, #tpu.memory_space<vmem>>)
    %add3A_81 = arith.constant 0 : i32
    %add3A_82 = arith.addi %mul3A_2, %add3A_81 : i32
    %run_scoped3A = arith.constant 0 : i32
    "tpu.region"() ({
      %run_scoped3A_320 = tpu.sem_alloc : memref<!tpu.dma_semaphore, #tpu.memory_space<semaphore_mem>>
      %dma_start3A_321 = arith.constant 0 : i32
      %dma_start3A_322 = arith.constant 0 : i32
      %dma_start3A_323 = arith.constant 0 : i32
      %dma_start3A_324 = tpu.memref_slice %arg10[%run_scoped3A, %dma_start3A_321, %dma_start3A_322, %dma_start3A_323] : memref<2x16x16x128xf32, #tpu.memory_space<vmem>> -> memref<1x16x16x128xf32, #tpu.memory_space<vmem>>
      %dma_start3A_325 = tpu.memref_squeeze %dma_start3A_324 : memref<1x16x16x128xf32, #tpu.memory_space<vmem>> -> memref<16x16x128xf32, #tpu.memory_space<vmem>>
      %dma_start3A_326 = arith.constant 0 : i32
      %dma_start3A_327 = arith.constant 0 : i32
      %dma_start3A_328 = tpu.memref_slice %arg2[%add3A_82, %dma_start3A_326, %dma_start3A_327] : memref<2048x16x128xf32, #tpu.memory_space<hbm>> -> memref<16x16x128xf32, #tpu.memory_space<hbm>>
      %dma_start3A_329 = arith.constant 0 : i32
      %dma_start3A_330 = arith.constant 0 : i32
      %dma_start3A_331 = arith.constant 0 : i32
      %dma_start3A_332 = tpu.memref_slice %arg10[%run_scoped3A, %dma_start3A_329, %dma_start3A_330, %dma_start3A_331] : memref<2x16x16x128xf32, #tpu.memory_space<vmem>> -> memref<1x16x16x128xf32, #tpu.memory_space<vmem>>
      %dma_start3A_333 = tpu.memref_squeeze %dma_start3A_332 : memref<1x16x16x128xf32, #tpu.memory_space<vmem>> -> memref<16x16x128xf32, #tpu.memory_space<vmem>>
      %dma_start3A_334 = arith.constant 0 : i32
      %dma_start3A_335 = arith.constant 0 : i32
      %dma_start3A_336 = tpu.memref_slice %arg2[%add3A_82, %dma_start3A_334, %dma_start3A_335] : memref<2048x16x128xf32, #tpu.memory_space<hbm>> -> memref<16x16x128xf32, #tpu.memory_space<hbm>>
      tpu.enqueue_dma source(%dma_start3A_336 : memref<16x16x128xf32, #tpu.memory_space<hbm>>) target(%dma_start3A_333 : memref<16x16x128xf32, #tpu.memory_space<vmem>>) target_semaphore(%run_scoped3A_320 : memref<!tpu.dma_semaphore, #tpu.memory_space<semaphore_mem>>)
      %dma_wait3A_337 = arith.constant 0 : i32
      %dma_wait3A_338 = arith.constant 0 : i32
      %dma_wait3A_339 = arith.constant 0 : i32
      %dma_wait3A_340 = tpu.memref_slice %arg10[%run_scoped3A, %dma_wait3A_337, %dma_wait3A_338, %dma_wait3A_339] : memref<2x16x16x128xf32, #tpu.memory_space<vmem>> -> memref<1x16x16x128xf32, #tpu.memory_space<vmem>>
      %dma_wait3A_341 = tpu.memref_squeeze %dma_wait3A_340 : memref<1x16x16x128xf32, #tpu.memory_space<vmem>> -> memref<16x16x128xf32, #tpu.memory_space<vmem>>
      %dma_wait3A_342 = arith.constant 0 : i32
      %dma_wait3A_343 = arith.constant 0 : i32
      %dma_wait3A_344 = tpu.memref_slice %arg2[%add3A_82, %dma_wait3A_342, %dma_wait3A_343] : memref<2048x16x128xf32, #tpu.memory_space<hbm>> -> memref<16x16x128xf32, #tpu.memory_space<hbm>>
      %dma_wait3A_345 = arith.constant 0 : i32
      %dma_wait3A_346 = arith.constant 0 : i32
      %dma_wait3A_347 = arith.constant 0 : i32
      %dma_wait3A_348 = tpu.memref_slice %arg10[%run_scoped3A, %dma_wait3A_345, %dma_wait3A_346, %dma_wait3A_347] : memref<2x16x16x128xf32, #tpu.memory_space<vmem>> -> memref<1x16x16x128xf32, #tpu.memory_space<vmem>>
      %dma_wait3A_349 = tpu.memref_squeeze %dma_wait3A_348 : memref<1x16x16x128xf32, #tpu.memory_space<vmem>> -> memref<16x16x128xf32, #tpu.memory_space<vmem>>
      %dma_wait3A_350 = arith.constant 0 : i32
      %dma_wait3A_351 = arith.constant 0 : i32
      %dma_wait3A_352 = tpu.memref_slice %arg2[%add3A_82, %dma_wait3A_350, %dma_wait3A_351] : memref<2048x16x128xf32, #tpu.memory_space<hbm>> -> memref<16x16x128xf32, #tpu.memory_space<hbm>>
      tpu.wait_dma2 semaphore(%run_scoped3A_320 : memref<!tpu.dma_semaphore, #tpu.memory_space<semaphore_mem>>) src(%dma_wait3A_352 : memref<16x16x128xf32, #tpu.memory_space<hbm>>) dst(%dma_wait3A_349 : memref<16x16x128xf32, #tpu.memory_space<vmem>>)
      tpu.yield
    }) : () -> ()
    %dma_start3A_83 = arith.constant 0 : i32
    %dma_start3A_84 = arith.constant 0 : i32
    %dma_start3A_85 = arith.constant 0 : i32
    %dma_start3A_86 = arith.constant 0 : i32
    %dma_start3A_87 = arith.constant 0 : i32
    %dma_start3A_88 = tpu.memref_slice %arg10[%dma_start3A_83, %dma_start3A_85, %dma_start3A_86, %dma_start3A_87] : memref<2x16x16x128xf32, #tpu.memory_space<vmem>> -> memref<1x16x16x128xf32, #tpu.memory_space<vmem>>
    %dma_start3A_89 = tpu.memref_squeeze %dma_start3A_88 : memref<1x16x16x128xf32, #tpu.memory_space<vmem>> -> memref<16x16x128xf32, #tpu.memory_space<vmem>>
    %dma_start3A_90 = arith.constant 0 : i32
    %dma_start3A_91 = tpu.memref_slice %arg9[%dma_start3A_84, %dma_start3A_90] : memref<4x16xi32, #tpu.memory_space<vmem>> -> memref<1x16xi32, #tpu.memory_space<vmem>>
    %dma_start3A_92 = tpu.memref_squeeze %dma_start3A_91 : memref<1x16xi32, #tpu.memory_space<vmem>> -> memref<16xi32, #tpu.memory_space<vmem>>
    %dma_start3A_93 = arith.constant 0 : i32
    %dma_start3A_94 = arith.constant 0 : i32
    %dma_start3A_95 = arith.constant 0 : i32
    %dma_start3A_96 = tpu.memref_slice %arg5[%dma_start3A_93, %dma_start3A_94, %dma_start3A_95] : memref<8192x16x128xf32, #tpu.memory_space<hbm>> -> memref<8192x16x128xf32, #tpu.memory_space<hbm>>
    tpu.enqueue_indirect_dma source(%dma_start3A_89 : memref<16x16x128xf32, #tpu.memory_space<vmem>>) target(%dma_start3A_96 : memref<8192x16x128xf32, #tpu.memory_space<hbm>>) offsets(%dma_start3A_92 : memref<16xi32, #tpu.memory_space<vmem>>) semaphore(%arg11 : memref<!tpu.dma_semaphore, #tpu.memory_space<semaphore_mem>>)
    %run_scoped3A_97 = arith.constant 1 : i32
    "tpu.region"() ({
      %run_scoped3A_320 = tpu.sem_alloc : memref<!tpu.dma_semaphore, #tpu.memory_space<semaphore_mem>>
      %dma_start3A_321 = arith.constant 0 : i32
      %dma_start3A_322 = arith.constant 0 : i32
      %dma_start3A_323 = arith.constant 0 : i32
      %dma_start3A_324 = tpu.memref_slice %arg10[%run_scoped3A_97, %dma_start3A_321, %dma_start3A_322, %dma_start3A_323] : memref<2x16x16x128xf32, #tpu.memory_space<vmem>> -> memref<1x16x16x128xf32, #tpu.memory_space<vmem>>
      %dma_start3A_325 = tpu.memref_squeeze %dma_start3A_324 : memref<1x16x16x128xf32, #tpu.memory_space<vmem>> -> memref<16x16x128xf32, #tpu.memory_space<vmem>>
      %dma_start3A_326 = arith.constant 0 : i32
      %dma_start3A_327 = arith.constant 0 : i32
      %dma_start3A_328 = tpu.memref_slice %arg3[%add3A_82, %dma_start3A_326, %dma_start3A_327] : memref<2048x16x128xf32, #tpu.memory_space<hbm>> -> memref<16x16x128xf32, #tpu.memory_space<hbm>>
      %dma_start3A_329 = arith.constant 0 : i32
      %dma_start3A_330 = arith.constant 0 : i32
      %dma_start3A_331 = arith.constant 0 : i32
      %dma_start3A_332 = tpu.memref_slice %arg10[%run_scoped3A_97, %dma_start3A_329, %dma_start3A_330, %dma_start3A_331] : memref<2x16x16x128xf32, #tpu.memory_space<vmem>> -> memref<1x16x16x128xf32, #tpu.memory_space<vmem>>
      %dma_start3A_333 = tpu.memref_squeeze %dma_start3A_332 : memref<1x16x16x128xf32, #tpu.memory_space<vmem>> -> memref<16x16x128xf32, #tpu.memory_space<vmem>>
      %dma_start3A_334 = arith.constant 0 : i32
      %dma_start3A_335 = arith.constant 0 : i32
      %dma_start3A_336 = tpu.memref_slice %arg3[%add3A_82, %dma_start3A_334, %dma_start3A_335] : memref<2048x16x128xf32, #tpu.memory_space<hbm>> -> memref<16x16x128xf32, #tpu.memory_space<hbm>>
      tpu.enqueue_dma source(%dma_start3A_336 : memref<16x16x128xf32, #tpu.memory_space<hbm>>) target(%dma_start3A_333 : memref<16x16x128xf32, #tpu.memory_space<vmem>>) target_semaphore(%run_scoped3A_320 : memref<!tpu.dma_semaphore, #tpu.memory_space<semaphore_mem>>)
      %dma_wait3A_337 = arith.constant 0 : i32
      %dma_wait3A_338 = arith.constant 0 : i32
      %dma_wait3A_339 = arith.constant 0 : i32
      %dma_wait3A_340 = tpu.memref_slice %arg10[%run_scoped3A_97, %dma_wait3A_337, %dma_wait3A_338, %dma_wait3A_339] : memref<2x16x16x128xf32, #tpu.memory_space<vmem>> -> memref<1x16x16x128xf32, #tpu.memory_space<vmem>>
      %dma_wait3A_341 = tpu.memref_squeeze %dma_wait3A_340 : memref<1x16x16x128xf32, #tpu.memory_space<vmem>> -> memref<16x16x128xf32, #tpu.memory_space<vmem>>
      %dma_wait3A_342 = arith.constant 0 : i32
      %dma_wait3A_343 = arith.constant 0 : i32
      %dma_wait3A_344 = tpu.memref_slice %arg3[%add3A_82, %dma_wait3A_342, %dma_wait3A_343] : memref<2048x16x128xf32, #tpu.memory_space<hbm>> -> memref<16x16x128xf32, #tpu.memory_space<hbm>>
      %dma_wait3A_345 = arith.constant 0 : i32
      %dma_wait3A_346 = arith.constant 0 : i32
      %dma_wait3A_347 = arith.constant 0 : i32
      %dma_wait3A_348 = tpu.memref_slice %arg10[%run_scoped3A_97, %dma_wait3A_345, %dma_wait3A_346, %dma_wait3A_347] : memref<2x16x16x128xf32, #tpu.memory_space<vmem>> -> memref<1x16x16x128xf32, #tpu.memory_space<vmem>>
      %dma_wait3A_349 = tpu.memref_squeeze %dma_wait3A_348 : memref<1x16x16x128xf32, #tpu.memory_space<vmem>> -> memref<16x16x128xf32, #tpu.memory_space<vmem>>
      %dma_wait3A_350 = arith.constant 0 : i32
      %dma_wait3A_351 = arith.constant 0 : i32
      %dma_wait3A_352 = tpu.memref_slice %arg3[%add3A_82, %dma_wait3A_350, %dma_wait3A_351] : memref<2048x16x128xf32, #tpu.memory_space<hbm>> -> memref<16x16x128xf32, #tpu.memory_space<hbm>>
      tpu.wait_dma2 semaphore(%run_scoped3A_320 : memref<!tpu.dma_semaphore, #tpu.memory_space<semaphore_mem>>) src(%dma_wait3A_352 : memref<16x16x128xf32, #tpu.memory_space<hbm>>) dst(%dma_wait3A_349 : memref<16x16x128xf32, #tpu.memory_space<vmem>>)
      tpu.yield
    }) : () -> ()
    %dma_start3A_98 = arith.constant 1 : i32
    %dma_start3A_99 = arith.constant 0 : i32
    %dma_start3A_100 = arith.constant 0 : i32
    %dma_start3A_101 = arith.constant 0 : i32
    %dma_start3A_102 = arith.constant 0 : i32
    %dma_start3A_103 = tpu.memref_slice %arg10[%dma_start3A_98, %dma_start3A_100, %dma_start3A_101, %dma_start3A_102] : memref<2x16x16x128xf32, #tpu.memory_space<vmem>> -> memref<1x16x16x128xf32, #tpu.memory_space<vmem>>
    %dma_start3A_104 = tpu.memref_squeeze %dma_start3A_103 : memref<1x16x16x128xf32, #tpu.memory_space<vmem>> -> memref<16x16x128xf32, #tpu.memory_space<vmem>>
    %dma_start3A_105 = arith.constant 0 : i32
    %dma_start3A_106 = tpu.memref_slice %arg9[%dma_start3A_99, %dma_start3A_105] : memref<4x16xi32, #tpu.memory_space<vmem>> -> memref<1x16xi32, #tpu.memory_space<vmem>>
    %dma_start3A_107 = tpu.memref_squeeze %dma_start3A_106 : memref<1x16xi32, #tpu.memory_space<vmem>> -> memref<16xi32, #tpu.memory_space<vmem>>
    %dma_start3A_108 = arith.constant 0 : i32
    %dma_start3A_109 = arith.constant 0 : i32
    %dma_start3A_110 = arith.constant 0 : i32
    %dma_start3A_111 = tpu.memref_slice %arg6[%dma_start3A_108, %dma_start3A_109, %dma_start3A_110] : memref<8192x16x128xf32, #tpu.memory_space<hbm>> -> memref<8192x16x128xf32, #tpu.memory_space<hbm>>
    tpu.enqueue_indirect_dma source(%dma_start3A_104 : memref<16x16x128xf32, #tpu.memory_space<vmem>>) target(%dma_start3A_111 : memref<8192x16x128xf32, #tpu.memory_space<hbm>>) offsets(%dma_start3A_107 : memref<16xi32, #tpu.memory_space<vmem>>) semaphore(%arg12 : memref<!tpu.dma_semaphore, #tpu.memory_space<semaphore_mem>>)
    %add3A_112 = arith.constant 16 : i32
    %add3A_113 = arith.addi %mul3A_2, %add3A_112 : i32
    %dma_wait3A_114 = arith.constant 0 : i32
    %dma_wait3A_115 = arith.constant 0 : i32
    %dma_wait3A_116 = arith.constant 0 : i32
    %dma_wait3A_117 = arith.constant 0 : i32
    %dma_wait3A_118 = arith.constant 0 : i32
    %dma_wait3A_119 = tpu.memref_slice %arg10[%dma_wait3A_114, %dma_wait3A_116, %dma_wait3A_117, %dma_wait3A_118] : memref<2x16x16x128xf32, #tpu.memory_space<vmem>> -> memref<1x16x16x128xf32, #tpu.memory_space<vmem>>
    %dma_wait3A_120 = tpu.memref_squeeze %dma_wait3A_119 : memref<1x16x16x128xf32, #tpu.memory_space<vmem>> -> memref<16x16x128xf32, #tpu.memory_space<vmem>>
    %dma_wait3A_121 = arith.constant 0 : i32
    %dma_wait3A_122 = tpu.memref_slice %arg9[%dma_wait3A_115, %dma_wait3A_121] : memref<4x16xi32, #tpu.memory_space<vmem>> -> memref<1x16xi32, #tpu.memory_space<vmem>>
    %dma_wait3A_123 = tpu.memref_squeeze %dma_wait3A_122 : memref<1x16xi32, #tpu.memory_space<vmem>> -> memref<16xi32, #tpu.memory_space<vmem>>
    %dma_wait3A_124 = arith.constant 0 : i32
    %dma_wait3A_125 = arith.constant 0 : i32
    %dma_wait3A_126 = arith.constant 0 : i32
    %dma_wait3A_127 = tpu.memref_slice %arg5[%dma_wait3A_124, %dma_wait3A_125, %dma_wait3A_126] : memref<8192x16x128xf32, #tpu.memory_space<hbm>> -> memref<8192x16x128xf32, #tpu.memory_space<hbm>>
    tpu.wait_indirect_dma semaphore(%arg11 : memref<!tpu.dma_semaphore, #tpu.memory_space<semaphore_mem>>) src(%dma_wait3A_120 : memref<16x16x128xf32, #tpu.memory_space<vmem>>) dst(%dma_wait3A_127 : memref<8192x16x128xf32, #tpu.memory_space<hbm>>)
    %run_scoped3A_128 = arith.constant 0 : i32
    "tpu.region"() ({
      %run_scoped3A_320 = tpu.sem_alloc : memref<!tpu.dma_semaphore, #tpu.memory_space<semaphore_mem>>
      %dma_start3A_321 = arith.constant 0 : i32
      %dma_start3A_322 = arith.constant 0 : i32
      %dma_start3A_323 = arith.constant 0 : i32
      %dma_start3A_324 = tpu.memref_slice %arg10[%run_scoped3A_128, %dma_start3A_321, %dma_start3A_322, %dma_start3A_323] : memref<2x16x16x128xf32, #tpu.memory_space<vmem>> -> memref<1x16x16x128xf32, #tpu.memory_space<vmem>>
      %dma_start3A_325 = tpu.memref_squeeze %dma_start3A_324 : memref<1x16x16x128xf32, #tpu.memory_space<vmem>> -> memref<16x16x128xf32, #tpu.memory_space<vmem>>
      %dma_start3A_326 = arith.constant 0 : i32
      %dma_start3A_327 = arith.constant 0 : i32
      %dma_start3A_328 = tpu.memref_slice %arg2[%add3A_113, %dma_start3A_326, %dma_start3A_327] : memref<2048x16x128xf32, #tpu.memory_space<hbm>> -> memref<16x16x128xf32, #tpu.memory_space<hbm>>
      %dma_start3A_329 = arith.constant 0 : i32
      %dma_start3A_330 = arith.constant 0 : i32
      %dma_start3A_331 = arith.constant 0 : i32
      %dma_start3A_332 = tpu.memref_slice %arg10[%run_scoped3A_128, %dma_start3A_329, %dma_start3A_330, %dma_start3A_331] : memref<2x16x16x128xf32, #tpu.memory_space<vmem>> -> memref<1x16x16x128xf32, #tpu.memory_space<vmem>>
      %dma_start3A_333 = tpu.memref_squeeze %dma_start3A_332 : memref<1x16x16x128xf32, #tpu.memory_space<vmem>> -> memref<16x16x128xf32, #tpu.memory_space<vmem>>
      %dma_start3A_334 = arith.constant 0 : i32
      %dma_start3A_335 = arith.constant 0 : i32
      %dma_start3A_336 = tpu.memref_slice %arg2[%add3A_113, %dma_start3A_334, %dma_start3A_335] : memref<2048x16x128xf32, #tpu.memory_space<hbm>> -> memref<16x16x128xf32, #tpu.memory_space<hbm>>
      tpu.enqueue_dma source(%dma_start3A_336 : memref<16x16x128xf32, #tpu.memory_space<hbm>>) target(%dma_start3A_333 : memref<16x16x128xf32, #tpu.memory_space<vmem>>) target_semaphore(%run_scoped3A_320 : memref<!tpu.dma_semaphore, #tpu.memory_space<semaphore_mem>>)
      %dma_wait3A_337 = arith.constant 0 : i32
      %dma_wait3A_338 = arith.constant 0 : i32
      %dma_wait3A_339 = arith.constant 0 : i32
      %dma_wait3A_340 = tpu.memref_slice %arg10[%run_scoped3A_128, %dma_wait3A_337, %dma_wait3A_338, %dma_wait3A_339] : memref<2x16x16x128xf32, #tpu.memory_space<vmem>> -> memref<1x16x16x128xf32, #tpu.memory_space<vmem>>
      %dma_wait3A_341 = tpu.memref_squeeze %dma_wait3A_340 : memref<1x16x16x128xf32, #tpu.memory_space<vmem>> -> memref<16x16x128xf32, #tpu.memory_space<vmem>>
      %dma_wait3A_342 = arith.constant 0 : i32
      %dma_wait3A_343 = arith.constant 0 : i32
      %dma_wait3A_344 = tpu.memref_slice %arg2[%add3A_113, %dma_wait3A_342, %dma_wait3A_343] : memref<2048x16x128xf32, #tpu.memory_space<hbm>> -> memref<16x16x128xf32, #tpu.memory_space<hbm>>
      %dma_wait3A_345 = arith.constant 0 : i32
      %dma_wait3A_346 = arith.constant 0 : i32
      %dma_wait3A_347 = arith.constant 0 : i32
      %dma_wait3A_348 = tpu.memref_slice %arg10[%run_scoped3A_128, %dma_wait3A_345, %dma_wait3A_346, %dma_wait3A_347] : memref<2x16x16x128xf32, #tpu.memory_space<vmem>> -> memref<1x16x16x128xf32, #tpu.memory_space<vmem>>
      %dma_wait3A_349 = tpu.memref_squeeze %dma_wait3A_348 : memref<1x16x16x128xf32, #tpu.memory_space<vmem>> -> memref<16x16x128xf32, #tpu.memory_space<vmem>>
      %dma_wait3A_350 = arith.constant 0 : i32
      %dma_wait3A_351 = arith.constant 0 : i32
      %dma_wait3A_352 = tpu.memref_slice %arg2[%add3A_113, %dma_wait3A_350, %dma_wait3A_351] : memref<2048x16x128xf32, #tpu.memory_space<hbm>> -> memref<16x16x128xf32, #tpu.memory_space<hbm>>
      tpu.wait_dma2 semaphore(%run_scoped3A_320 : memref<!tpu.dma_semaphore, #tpu.memory_space<semaphore_mem>>) src(%dma_wait3A_352 : memref<16x16x128xf32, #tpu.memory_space<hbm>>) dst(%dma_wait3A_349 : memref<16x16x128xf32, #tpu.memory_space<vmem>>)
      tpu.yield
    }) : () -> ()
    %dma_start3A_129 = arith.constant 0 : i32
    %dma_start3A_130 = arith.constant 1 : i32
    %dma_start3A_131 = arith.constant 0 : i32
    %dma_start3A_132 = arith.constant 0 : i32
    %dma_start3A_133 = arith.constant 0 : i32
    %dma_start3A_134 = tpu.memref_slice %arg10[%dma_start3A_129, %dma_start3A_131, %dma_start3A_132, %dma_start3A_133] : memref<2x16x16x128xf32, #tpu.memory_space<vmem>> -> memref<1x16x16x128xf32, #tpu.memory_space<vmem>>
    %dma_start3A_135 = tpu.memref_squeeze %dma_start3A_134 : memref<1x16x16x128xf32, #tpu.memory_space<vmem>> -> memref<16x16x128xf32, #tpu.memory_space<vmem>>
    %dma_start3A_136 = arith.constant 0 : i32
    %dma_start3A_137 = tpu.memref_slice %arg9[%dma_start3A_130, %dma_start3A_136] : memref<4x16xi32, #tpu.memory_space<vmem>> -> memref<1x16xi32, #tpu.memory_space<vmem>>
    %dma_start3A_138 = tpu.memref_squeeze %dma_start3A_137 : memref<1x16xi32, #tpu.memory_space<vmem>> -> memref<16xi32, #tpu.memory_space<vmem>>
    %dma_start3A_139 = arith.constant 0 : i32
    %dma_start3A_140 = arith.constant 0 : i32
    %dma_start3A_141 = arith.constant 0 : i32
    %dma_start3A_142 = tpu.memref_slice %arg5[%dma_start3A_139, %dma_start3A_140, %dma_start3A_141] : memref<8192x16x128xf32, #tpu.memory_space<hbm>> -> memref<8192x16x128xf32, #tpu.memory_space<hbm>>
    tpu.enqueue_indirect_dma source(%dma_start3A_135 : memref<16x16x128xf32, #tpu.memory_space<vmem>>) target(%dma_start3A_142 : memref<8192x16x128xf32, #tpu.memory_space<hbm>>) offsets(%dma_start3A_138 : memref<16xi32, #tpu.memory_space<vmem>>) semaphore(%arg11 : memref<!tpu.dma_semaphore, #tpu.memory_space<semaphore_mem>>)
    %dma_wait3A_143 = arith.constant 1 : i32
    %dma_wait3A_144 = arith.constant 0 : i32
    %dma_wait3A_145 = arith.constant 0 : i32
    %dma_wait3A_146 = arith.constant 0 : i32
    %dma_wait3A_147 = arith.constant 0 : i32
    %dma_wait3A_148 = tpu.memref_slice %arg10[%dma_wait3A_143, %dma_wait3A_145, %dma_wait3A_146, %dma_wait3A_147] : memref<2x16x16x128xf32, #tpu.memory_space<vmem>> -> memref<1x16x16x128xf32, #tpu.memory_space<vmem>>
    %dma_wait3A_149 = tpu.memref_squeeze %dma_wait3A_148 : memref<1x16x16x128xf32, #tpu.memory_space<vmem>> -> memref<16x16x128xf32, #tpu.memory_space<vmem>>
    %dma_wait3A_150 = arith.constant 0 : i32
    %dma_wait3A_151 = tpu.memref_slice %arg9[%dma_wait3A_144, %dma_wait3A_150] : memref<4x16xi32, #tpu.memory_space<vmem>> -> memref<1x16xi32, #tpu.memory_space<vmem>>
    %dma_wait3A_152 = tpu.memref_squeeze %dma_wait3A_151 : memref<1x16xi32, #tpu.memory_space<vmem>> -> memref<16xi32, #tpu.memory_space<vmem>>
    %dma_wait3A_153 = arith.constant 0 : i32
    %dma_wait3A_154 = arith.constant 0 : i32
    %dma_wait3A_155 = arith.constant 0 : i32
    %dma_wait3A_156 = tpu.memref_slice %arg6[%dma_wait3A_153, %dma_wait3A_154, %dma_wait3A_155] : memref<8192x16x128xf32, #tpu.memory_space<hbm>> -> memref<8192x16x128xf32, #tpu.memory_space<hbm>>
    tpu.wait_indirect_dma semaphore(%arg12 : memref<!tpu.dma_semaphore, #tpu.memory_space<semaphore_mem>>) src(%dma_wait3A_149 : memref<16x16x128xf32, #tpu.memory_space<vmem>>) dst(%dma_wait3A_156 : memref<8192x16x128xf32, #tpu.memory_space<hbm>>)
    %run_scoped3A_157 = arith.constant 1 : i32
    "tpu.region"() ({
      %run_scoped3A_320 = tpu.sem_alloc : memref<!tpu.dma_semaphore, #tpu.memory_space<semaphore_mem>>
      %dma_start3A_321 = arith.constant 0 : i32
      %dma_start3A_322 = arith.constant 0 : i32
      %dma_start3A_323 = arith.constant 0 : i32
      %dma_start3A_324 = tpu.memref_slice %arg10[%run_scoped3A_157, %dma_start3A_321, %dma_start3A_322, %dma_start3A_323] : memref<2x16x16x128xf32, #tpu.memory_space<vmem>> -> memref<1x16x16x128xf32, #tpu.memory_space<vmem>>
      %dma_start3A_325 = tpu.memref_squeeze %dma_start3A_324 : memref<1x16x16x128xf32, #tpu.memory_space<vmem>> -> memref<16x16x128xf32, #tpu.memory_space<vmem>>
      %dma_start3A_326 = arith.constant 0 : i32
      %dma_start3A_327 = arith.constant 0 : i32
      %dma_start3A_328 = tpu.memref_slice %arg3[%add3A_113, %dma_start3A_326, %dma_start3A_327] : memref<2048x16x128xf32, #tpu.memory_space<hbm>> -> memref<16x16x128xf32, #tpu.memory_space<hbm>>
      %dma_start3A_329 = arith.constant 0 : i32
      %dma_start3A_330 = arith.constant 0 : i32
      %dma_start3A_331 = arith.constant 0 : i32
      %dma_start3A_332 = tpu.memref_slice %arg10[%run_scoped3A_157, %dma_start3A_329, %dma_start3A_330, %dma_start3A_331] : memref<2x16x16x128xf32, #tpu.memory_space<vmem>> -> memref<1x16x16x128xf32, #tpu.memory_space<vmem>>
      %dma_start3A_333 = tpu.memref_squeeze %dma_start3A_332 : memref<1x16x16x128xf32, #tpu.memory_space<vmem>> -> memref<16x16x128xf32, #tpu.memory_space<vmem>>
      %dma_start3A_334 = arith.constant 0 : i32
      %dma_start3A_335 = arith.constant 0 : i32
      %dma_start3A_336 = tpu.memref_slice %arg3[%add3A_113, %dma_start3A_334, %dma_start3A_335] : memref<2048x16x128xf32, #tpu.memory_space<hbm>> -> memref<16x16x128xf32, #tpu.memory_space<hbm>>
      tpu.enqueue_dma source(%dma_start3A_336 : memref<16x16x128xf32, #tpu.memory_space<hbm>>) target(%dma_start3A_333 : memref<16x16x128xf32, #tpu.memory_space<vmem>>) target_semaphore(%run_scoped3A_320 : memref<!tpu.dma_semaphore, #tpu.memory_space<semaphore_mem>>)
      %dma_wait3A_337 = arith.constant 0 : i32
      %dma_wait3A_338 = arith.constant 0 : i32
      %dma_wait3A_339 = arith.constant 0 : i32
      %dma_wait3A_340 = tpu.memref_slice %arg10[%run_scoped3A_157, %dma_wait3A_337, %dma_wait3A_338, %dma_wait3A_339] : memref<2x16x16x128xf32, #tpu.memory_space<vmem>> -> memref<1x16x16x128xf32, #tpu.memory_space<vmem>>
      %dma_wait3A_341 = tpu.memref_squeeze %dma_wait3A_340 : memref<1x16x16x128xf32, #tpu.memory_space<vmem>> -> memref<16x16x128xf32, #tpu.memory_space<vmem>>
      %dma_wait3A_342 = arith.constant 0 : i32
      %dma_wait3A_343 = arith.constant 0 : i32
      %dma_wait3A_344 = tpu.memref_slice %arg3[%add3A_113, %dma_wait3A_342, %dma_wait3A_343] : memref<2048x16x128xf32, #tpu.memory_space<hbm>> -> memref<16x16x128xf32, #tpu.memory_space<hbm>>
      %dma_wait3A_345 = arith.constant 0 : i32
      %dma_wait3A_346 = arith.constant 0 : i32
      %dma_wait3A_347 = arith.constant 0 : i32
      %dma_wait3A_348 = tpu.memref_slice %arg10[%run_scoped3A_157, %dma_wait3A_345, %dma_wait3A_346, %dma_wait3A_347] : memref<2x16x16x128xf32, #tpu.memory_space<vmem>> -> memref<1x16x16x128xf32, #tpu.memory_space<vmem>>
      %dma_wait3A_349 = tpu.memref_squeeze %dma_wait3A_348 : memref<1x16x16x128xf32, #tpu.memory_space<vmem>> -> memref<16x16x128xf32, #tpu.memory_space<vmem>>
      %dma_wait3A_350 = arith.constant 0 : i32
      %dma_wait3A_351 = arith.constant 0 : i32
      %dma_wait3A_352 = tpu.memref_slice %arg3[%add3A_113, %dma_wait3A_350, %dma_wait3A_351] : memref<2048x16x128xf32, #tpu.memory_space<hbm>> -> memref<16x16x128xf32, #tpu.memory_space<hbm>>
      tpu.wait_dma2 semaphore(%run_scoped3A_320 : memref<!tpu.dma_semaphore, #tpu.memory_space<semaphore_mem>>) src(%dma_wait3A_352 : memref<16x16x128xf32, #tpu.memory_space<hbm>>) dst(%dma_wait3A_349 : memref<16x16x128xf32, #tpu.memory_space<vmem>>)
      tpu.yield
    }) : () -> ()
    %dma_start3A_158 = arith.constant 1 : i32
    %dma_start3A_159 = arith.constant 1 : i32
    %dma_start3A_160 = arith.constant 0 : i32
    %dma_start3A_161 = arith.constant 0 : i32
    %dma_start3A_162 = arith.constant 0 : i32
    %dma_start3A_163 = tpu.memref_slice %arg10[%dma_start3A_158, %dma_start3A_160, %dma_start3A_161, %dma_start3A_162] : memref<2x16x16x128xf32, #tpu.memory_space<vmem>> -> memref<1x16x16x128xf32, #tpu.memory_space<vmem>>
    %dma_start3A_164 = tpu.memref_squeeze %dma_start3A_163 : memref<1x16x16x128xf32, #tpu.memory_space<vmem>> -> memref<16x16x128xf32, #tpu.memory_space<vmem>>
    %dma_start3A_165 = arith.constant 0 : i32
    %dma_start3A_166 = tpu.memref_slice %arg9[%dma_start3A_159, %dma_start3A_165] : memref<4x16xi32, #tpu.memory_space<vmem>> -> memref<1x16xi32, #tpu.memory_space<vmem>>
    %dma_start3A_167 = tpu.memref_squeeze %dma_start3A_166 : memref<1x16xi32, #tpu.memory_space<vmem>> -> memref<16xi32, #tpu.memory_space<vmem>>
    %dma_start3A_168 = arith.constant 0 : i32
    %dma_start3A_169 = arith.constant 0 : i32
    %dma_start3A_170 = arith.constant 0 : i32
    %dma_start3A_171 = tpu.memref_slice %arg6[%dma_start3A_168, %dma_start3A_169, %dma_start3A_170] : memref<8192x16x128xf32, #tpu.memory_space<hbm>> -> memref<8192x16x128xf32, #tpu.memory_space<hbm>>
    tpu.enqueue_indirect_dma source(%dma_start3A_164 : memref<16x16x128xf32, #tpu.memory_space<vmem>>) target(%dma_start3A_171 : memref<8192x16x128xf32, #tpu.memory_space<hbm>>) offsets(%dma_start3A_167 : memref<16xi32, #tpu.memory_space<vmem>>) semaphore(%arg12 : memref<!tpu.dma_semaphore, #tpu.memory_space<semaphore_mem>>)
    %add3A_172 = arith.constant 32 : i32
    %add3A_173 = arith.addi %mul3A_2, %add3A_172 : i32
    %dma_wait3A_174 = arith.constant 0 : i32
    %dma_wait3A_175 = arith.constant 1 : i32
    %dma_wait3A_176 = arith.constant 0 : i32
    %dma_wait3A_177 = arith.constant 0 : i32
    %dma_wait3A_178 = arith.constant 0 : i32
    %dma_wait3A_179 = tpu.memref_slice %arg10[%dma_wait3A_174, %dma_wait3A_176, %dma_wait3A_177, %dma_wait3A_178] : memref<2x16x16x128xf32, #tpu.memory_space<vmem>> -> memref<1x16x16x128xf32, #tpu.memory_space<vmem>>
    %dma_wait3A_180 = tpu.memref_squeeze %dma_wait3A_179 : memref<1x16x16x128xf32, #tpu.memory_space<vmem>> -> memref<16x16x128xf32, #tpu.memory_space<vmem>>
    %dma_wait3A_181 = arith.constant 0 : i32
    %dma_wait3A_182 = tpu.memref_slice %arg9[%dma_wait3A_175, %dma_wait3A_181] : memref<4x16xi32, #tpu.memory_space<vmem>> -> memref<1x16xi32, #tpu.memory_space<vmem>>
    %dma_wait3A_183 = tpu.memref_squeeze %dma_wait3A_182 : memref<1x16xi32, #tpu.memory_space<vmem>> -> memref<16xi32, #tpu.memory_space<vmem>>
    %dma_wait3A_184 = arith.constant 0 : i32
    %dma_wait3A_185 = arith.constant 0 : i32
    %dma_wait3A_186 = arith.constant 0 : i32
    %dma_wait3A_187 = tpu.memref_slice %arg5[%dma_wait3A_184, %dma_wait3A_185, %dma_wait3A_186] : memref<8192x16x128xf32, #tpu.memory_space<hbm>> -> memref<8192x16x128xf32, #tpu.memory_space<hbm>>
    tpu.wait_indirect_dma semaphore(%arg11 : memref<!tpu.dma_semaphore, #tpu.memory_space<semaphore_mem>>) src(%dma_wait3A_180 : memref<16x16x128xf32, #tpu.memory_space<vmem>>) dst(%dma_wait3A_187 : memref<8192x16x128xf32, #tpu.memory_space<hbm>>)
    %run_scoped3A_188 = arith.constant 0 : i32
    "tpu.region"() ({
      %run_scoped3A_320 = tpu.sem_alloc : memref<!tpu.dma_semaphore, #tpu.memory_space<semaphore_mem>>
      %dma_start3A_321 = arith.constant 0 : i32
      %dma_start3A_322 = arith.constant 0 : i32
      %dma_start3A_323 = arith.constant 0 : i32
      %dma_start3A_324 = tpu.memref_slice %arg10[%run_scoped3A_188, %dma_start3A_321, %dma_start3A_322, %dma_start3A_323] : memref<2x16x16x128xf32, #tpu.memory_space<vmem>> -> memref<1x16x16x128xf32, #tpu.memory_space<vmem>>
      %dma_start3A_325 = tpu.memref_squeeze %dma_start3A_324 : memref<1x16x16x128xf32, #tpu.memory_space<vmem>> -> memref<16x16x128xf32, #tpu.memory_space<vmem>>
      %dma_start3A_326 = arith.constant 0 : i32
      %dma_start3A_327 = arith.constant 0 : i32
      %dma_start3A_328 = tpu.memref_slice %arg2[%add3A_173, %dma_start3A_326, %dma_start3A_327] : memref<2048x16x128xf32, #tpu.memory_space<hbm>> -> memref<16x16x128xf32, #tpu.memory_space<hbm>>
      %dma_start3A_329 = arith.constant 0 : i32
      %dma_start3A_330 = arith.constant 0 : i32
      %dma_start3A_331 = arith.constant 0 : i32
      %dma_start3A_332 = tpu.memref_slice %arg10[%run_scoped3A_188, %dma_start3A_329, %dma_start3A_330, %dma_start3A_331] : memref<2x16x16x128xf32, #tpu.memory_space<vmem>> -> memref<1x16x16x128xf32, #tpu.memory_space<vmem>>
      %dma_start3A_333 = tpu.memref_squeeze %dma_start3A_332 : memref<1x16x16x128xf32, #tpu.memory_space<vmem>> -> memref<16x16x128xf32, #tpu.memory_space<vmem>>
      %dma_start3A_334 = arith.constant 0 : i32
      %dma_start3A_335 = arith.constant 0 : i32
      %dma_start3A_336 = tpu.memref_slice %arg2[%add3A_173, %dma_start3A_334, %dma_start3A_335] : memref<2048x16x128xf32, #tpu.memory_space<hbm>> -> memref<16x16x128xf32, #tpu.memory_space<hbm>>
      tpu.enqueue_dma source(%dma_start3A_336 : memref<16x16x128xf32, #tpu.memory_space<hbm>>) target(%dma_start3A_333 : memref<16x16x128xf32, #tpu.memory_space<vmem>>) target_semaphore(%run_scoped3A_320 : memref<!tpu.dma_semaphore, #tpu.memory_space<semaphore_mem>>)
      %dma_wait3A_337 = arith.constant 0 : i32
      %dma_wait3A_338 = arith.constant 0 : i32
      %dma_wait3A_339 = arith.constant 0 : i32
      %dma_wait3A_340 = tpu.memref_slice %arg10[%run_scoped3A_188, %dma_wait3A_337, %dma_wait3A_338, %dma_wait3A_339] : memref<2x16x16x128xf32, #tpu.memory_space<vmem>> -> memref<1x16x16x128xf32, #tpu.memory_space<vmem>>
      %dma_wait3A_341 = tpu.memref_squeeze %dma_wait3A_340 : memref<1x16x16x128xf32, #tpu.memory_space<vmem>> -> memref<16x16x128xf32, #tpu.memory_space<vmem>>
      %dma_wait3A_342 = arith.constant 0 : i32
      %dma_wait3A_343 = arith.constant 0 : i32
      %dma_wait3A_344 = tpu.memref_slice %arg2[%add3A_173, %dma_wait3A_342, %dma_wait3A_343] : memref<2048x16x128xf32, #tpu.memory_space<hbm>> -> memref<16x16x128xf32, #tpu.memory_space<hbm>>
      %dma_wait3A_345 = arith.constant 0 : i32
      %dma_wait3A_346 = arith.constant 0 : i32
      %dma_wait3A_347 = arith.constant 0 : i32
      %dma_wait3A_348 = tpu.memref_slice %arg10[%run_scoped3A_188, %dma_wait3A_345, %dma_wait3A_346, %dma_wait3A_347] : memref<2x16x16x128xf32, #tpu.memory_space<vmem>> -> memref<1x16x16x128xf32, #tpu.memory_space<vmem>>
      %dma_wait3A_349 = tpu.memref_squeeze %dma_wait3A_348 : memref<1x16x16x128xf32, #tpu.memory_space<vmem>> -> memref<16x16x128xf32, #tpu.memory_space<vmem>>
      %dma_wait3A_350 = arith.constant 0 : i32
      %dma_wait3A_351 = arith.constant 0 : i32
      %dma_wait3A_352 = tpu.memref_slice %arg2[%add3A_173, %dma_wait3A_350, %dma_wait3A_351] : memref<2048x16x128xf32, #tpu.memory_space<hbm>> -> memref<16x16x128xf32, #tpu.memory_space<hbm>>
      tpu.wait_dma2 semaphore(%run_scoped3A_320 : memref<!tpu.dma_semaphore, #tpu.memory_space<semaphore_mem>>) src(%dma_wait3A_352 : memref<16x16x128xf32, #tpu.memory_space<hbm>>) dst(%dma_wait3A_349 : memref<16x16x128xf32, #tpu.memory_space<vmem>>)
      tpu.yield
    }) : () -> ()
    %dma_start3A_189 = arith.constant 0 : i32
    %dma_start3A_190 = arith.constant 2 : i32
    %dma_start3A_191 = arith.constant 0 : i32
    %dma_start3A_192 = arith.constant 0 : i32
    %dma_start3A_193 = arith.constant 0 : i32
    %dma_start3A_194 = tpu.memref_slice %arg10[%dma_start3A_189, %dma_start3A_191, %dma_start3A_192, %dma_start3A_193] : memref<2x16x16x128xf32, #tpu.memory_space<vmem>> -> memref<1x16x16x128xf32, #tpu.memory_space<vmem>>
    %dma_start3A_195 = tpu.memref_squeeze %dma_start3A_194 : memref<1x16x16x128xf32, #tpu.memory_space<vmem>> -> memref<16x16x128xf32, #tpu.memory_space<vmem>>
    %dma_start3A_196 = arith.constant 0 : i32
    %dma_start3A_197 = tpu.memref_slice %arg9[%dma_start3A_190, %dma_start3A_196] : memref<4x16xi32, #tpu.memory_space<vmem>> -> memref<1x16xi32, #tpu.memory_space<vmem>>
    %dma_start3A_198 = tpu.memref_squeeze %dma_start3A_197 : memref<1x16xi32, #tpu.memory_space<vmem>> -> memref<16xi32, #tpu.memory_space<vmem>>
    %dma_start3A_199 = arith.constant 0 : i32
    %dma_start3A_200 = arith.constant 0 : i32
    %dma_start3A_201 = arith.constant 0 : i32
    %dma_start3A_202 = tpu.memref_slice %arg5[%dma_start3A_199, %dma_start3A_200, %dma_start3A_201] : memref<8192x16x128xf32, #tpu.memory_space<hbm>> -> memref<8192x16x128xf32, #tpu.memory_space<hbm>>
    tpu.enqueue_indirect_dma source(%dma_start3A_195 : memref<16x16x128xf32, #tpu.memory_space<vmem>>) target(%dma_start3A_202 : memref<8192x16x128xf32, #tpu.memory_space<hbm>>) offsets(%dma_start3A_198 : memref<16xi32, #tpu.memory_space<vmem>>) semaphore(%arg11 : memref<!tpu.dma_semaphore, #tpu.memory_space<semaphore_mem>>)
    %dma_wait3A_203 = arith.constant 1 : i32
    %dma_wait3A_204 = arith.constant 1 : i32
    %dma_wait3A_205 = arith.constant 0 : i32
    %dma_wait3A_206 = arith.constant 0 : i32
    %dma_wait3A_207 = arith.constant 0 : i32
    %dma_wait3A_208 = tpu.memref_slice %arg10[%dma_wait3A_203, %dma_wait3A_205, %dma_wait3A_206, %dma_wait3A_207] : memref<2x16x16x128xf32, #tpu.memory_space<vmem>> -> memref<1x16x16x128xf32, #tpu.memory_space<vmem>>
    %dma_wait3A_209 = tpu.memref_squeeze %dma_wait3A_208 : memref<1x16x16x128xf32, #tpu.memory_space<vmem>> -> memref<16x16x128xf32, #tpu.memory_space<vmem>>
    %dma_wait3A_210 = arith.constant 0 : i32
    %dma_wait3A_211 = tpu.memref_slice %arg9[%dma_wait3A_204, %dma_wait3A_210] : memref<4x16xi32, #tpu.memory_space<vmem>> -> memref<1x16xi32, #tpu.memory_space<vmem>>
    %dma_wait3A_212 = tpu.memref_squeeze %dma_wait3A_211 : memref<1x16xi32, #tpu.memory_space<vmem>> -> memref<16xi32, #tpu.memory_space<vmem>>
    %dma_wait3A_213 = arith.constant 0 : i32
    %dma_wait3A_214 = arith.constant 0 : i32
    %dma_wait3A_215 = arith.constant 0 : i32
    %dma_wait3A_216 = tpu.memref_slice %arg6[%dma_wait3A_213, %dma_wait3A_214, %dma_wait3A_215] : memref<8192x16x128xf32, #tpu.memory_space<hbm>> -> memref<8192x16x128xf32, #tpu.memory_space<hbm>>
    tpu.wait_indirect_dma semaphore(%arg12 : memref<!tpu.dma_semaphore, #tpu.memory_space<semaphore_mem>>) src(%dma_wait3A_209 : memref<16x16x128xf32, #tpu.memory_space<vmem>>) dst(%dma_wait3A_216 : memref<8192x16x128xf32, #tpu.memory_space<hbm>>)
    %run_scoped3A_217 = arith.constant 1 : i32
    "tpu.region"() ({
      %run_scoped3A_320 = tpu.sem_alloc : memref<!tpu.dma_semaphore, #tpu.memory_space<semaphore_mem>>
      %dma_start3A_321 = arith.constant 0 : i32
      %dma_start3A_322 = arith.constant 0 : i32
      %dma_start3A_323 = arith.constant 0 : i32
      %dma_start3A_324 = tpu.memref_slice %arg10[%run_scoped3A_217, %dma_start3A_321, %dma_start3A_322, %dma_start3A_323] : memref<2x16x16x128xf32, #tpu.memory_space<vmem>> -> memref<1x16x16x128xf32, #tpu.memory_space<vmem>>
      %dma_start3A_325 = tpu.memref_squeeze %dma_start3A_324 : memref<1x16x16x128xf32, #tpu.memory_space<vmem>> -> memref<16x16x128xf32, #tpu.memory_space<vmem>>
      %dma_start3A_326 = arith.constant 0 : i32
      %dma_start3A_327 = arith.constant 0 : i32
      %dma_start3A_328 = tpu.memref_slice %arg3[%add3A_173, %dma_start3A_326, %dma_start3A_327] : memref<2048x16x128xf32, #tpu.memory_space<hbm>> -> memref<16x16x128xf32, #tpu.memory_space<hbm>>
      %dma_start3A_329 = arith.constant 0 : i32
      %dma_start3A_330 = arith.constant 0 : i32
      %dma_start3A_331 = arith.constant 0 : i32
      %dma_start3A_332 = tpu.memref_slice %arg10[%run_scoped3A_217, %dma_start3A_329, %dma_start3A_330, %dma_start3A_331] : memref<2x16x16x128xf32, #tpu.memory_space<vmem>> -> memref<1x16x16x128xf32, #tpu.memory_space<vmem>>
      %dma_start3A_333 = tpu.memref_squeeze %dma_start3A_332 : memref<1x16x16x128xf32, #tpu.memory_space<vmem>> -> memref<16x16x128xf32, #tpu.memory_space<vmem>>
      %dma_start3A_334 = arith.constant 0 : i32
      %dma_start3A_335 = arith.constant 0 : i32
      %dma_start3A_336 = tpu.memref_slice %arg3[%add3A_173, %dma_start3A_334, %dma_start3A_335] : memref<2048x16x128xf32, #tpu.memory_space<hbm>> -> memref<16x16x128xf32, #tpu.memory_space<hbm>>
      tpu.enqueue_dma source(%dma_start3A_336 : memref<16x16x128xf32, #tpu.memory_space<hbm>>) target(%dma_start3A_333 : memref<16x16x128xf32, #tpu.memory_space<vmem>>) target_semaphore(%run_scoped3A_320 : memref<!tpu.dma_semaphore, #tpu.memory_space<semaphore_mem>>)
      %dma_wait3A_337 = arith.constant 0 : i32
      %dma_wait3A_338 = arith.constant 0 : i32
      %dma_wait3A_339 = arith.constant 0 : i32
      %dma_wait3A_340 = tpu.memref_slice %arg10[%run_scoped3A_217, %dma_wait3A_337, %dma_wait3A_338, %dma_wait3A_339] : memref<2x16x16x128xf32, #tpu.memory_space<vmem>> -> memref<1x16x16x128xf32, #tpu.memory_space<vmem>>
      %dma_wait3A_341 = tpu.memref_squeeze %dma_wait3A_340 : memref<1x16x16x128xf32, #tpu.memory_space<vmem>> -> memref<16x16x128xf32, #tpu.memory_space<vmem>>
      %dma_wait3A_342 = arith.constant 0 : i32
      %dma_wait3A_343 = arith.constant 0 : i32
      %dma_wait3A_344 = tpu.memref_slice %arg3[%add3A_173, %dma_wait3A_342, %dma_wait3A_343] : memref<2048x16x128xf32, #tpu.memory_space<hbm>> -> memref<16x16x128xf32, #tpu.memory_space<hbm>>
      %dma_wait3A_345 = arith.constant 0 : i32
      %dma_wait3A_346 = arith.constant 0 : i32
      %dma_wait3A_347 = arith.constant 0 : i32
      %dma_wait3A_348 = tpu.memref_slice %arg10[%run_scoped3A_217, %dma_wait3A_345, %dma_wait3A_346, %dma_wait3A_347] : memref<2x16x16x128xf32, #tpu.memory_space<vmem>> -> memref<1x16x16x128xf32, #tpu.memory_space<vmem>>
      %dma_wait3A_349 = tpu.memref_squeeze %dma_wait3A_348 : memref<1x16x16x128xf32, #tpu.memory_space<vmem>> -> memref<16x16x128xf32, #tpu.memory_space<vmem>>
      %dma_wait3A_350 = arith.constant 0 : i32
      %dma_wait3A_351 = arith.constant 0 : i32
      %dma_wait3A_352 = tpu.memref_slice %arg3[%add3A_173, %dma_wait3A_350, %dma_wait3A_351] : memref<2048x16x128xf32, #tpu.memory_space<hbm>> -> memref<16x16x128xf32, #tpu.memory_space<hbm>>
      tpu.wait_dma2 semaphore(%run_scoped3A_320 : memref<!tpu.dma_semaphore, #tpu.memory_space<semaphore_mem>>) src(%dma_wait3A_352 : memref<16x16x128xf32, #tpu.memory_space<hbm>>) dst(%dma_wait3A_349 : memref<16x16x128xf32, #tpu.memory_space<vmem>>)
      tpu.yield
    }) : () -> ()
    %dma_start3A_218 = arith.constant 1 : i32
    %dma_start3A_219 = arith.constant 2 : i32
    %dma_start3A_220 = arith.constant 0 : i32
    %dma_start3A_221 = arith.constant 0 : i32
    %dma_start3A_222 = arith.constant 0 : i32
    %dma_start3A_223 = tpu.memref_slice %arg10[%dma_start3A_218, %dma_start3A_220, %dma_start3A_221, %dma_start3A_222] : memref<2x16x16x128xf32, #tpu.memory_space<vmem>> -> memref<1x16x16x128xf32, #tpu.memory_space<vmem>>
    %dma_start3A_224 = tpu.memref_squeeze %dma_start3A_223 : memref<1x16x16x128xf32, #tpu.memory_space<vmem>> -> memref<16x16x128xf32, #tpu.memory_space<vmem>>
    %dma_start3A_225 = arith.constant 0 : i32
    %dma_start3A_226 = tpu.memref_slice %arg9[%dma_start3A_219, %dma_start3A_225] : memref<4x16xi32, #tpu.memory_space<vmem>> -> memref<1x16xi32, #tpu.memory_space<vmem>>
    %dma_start3A_227 = tpu.memref_squeeze %dma_start3A_226 : memref<1x16xi32, #tpu.memory_space<vmem>> -> memref<16xi32, #tpu.memory_space<vmem>>
    %dma_start3A_228 = arith.constant 0 : i32
    %dma_start3A_229 = arith.constant 0 : i32
    %dma_start3A_230 = arith.constant 0 : i32
    %dma_start3A_231 = tpu.memref_slice %arg6[%dma_start3A_228, %dma_start3A_229, %dma_start3A_230] : memref<8192x16x128xf32, #tpu.memory_space<hbm>> -> memref<8192x16x128xf32, #tpu.memory_space<hbm>>
    tpu.enqueue_indirect_dma source(%dma_start3A_224 : memref<16x16x128xf32, #tpu.memory_space<vmem>>) target(%dma_start3A_231 : memref<8192x16x128xf32, #tpu.memory_space<hbm>>) offsets(%dma_start3A_227 : memref<16xi32, #tpu.memory_space<vmem>>) semaphore(%arg12 : memref<!tpu.dma_semaphore, #tpu.memory_space<semaphore_mem>>)
    %add3A_232 = arith.constant 48 : i32
    %add3A_233 = arith.addi %mul3A_2, %add3A_232 : i32
    %dma_wait3A_234 = arith.constant 0 : i32
    %dma_wait3A_235 = arith.constant 2 : i32
    %dma_wait3A_236 = arith.constant 0 : i32
    %dma_wait3A_237 = arith.constant 0 : i32
    %dma_wait3A_238 = arith.constant 0 : i32
    %dma_wait3A_239 = tpu.memref_slice %arg10[%dma_wait3A_234, %dma_wait3A_236, %dma_wait3A_237, %dma_wait3A_238] : memref<2x16x16x128xf32, #tpu.memory_space<vmem>> -> memref<1x16x16x128xf32, #tpu.memory_space<vmem>>
    %dma_wait3A_240 = tpu.memref_squeeze %dma_wait3A_239 : memref<1x16x16x128xf32, #tpu.memory_space<vmem>> -> memref<16x16x128xf32, #tpu.memory_space<vmem>>
    %dma_wait3A_241 = arith.constant 0 : i32
    %dma_wait3A_242 = tpu.memref_slice %arg9[%dma_wait3A_235, %dma_wait3A_241] : memref<4x16xi32, #tpu.memory_space<vmem>> -> memref<1x16xi32, #tpu.memory_space<vmem>>
    %dma_wait3A_243 = tpu.memref_squeeze %dma_wait3A_242 : memref<1x16xi32, #tpu.memory_space<vmem>> -> memref<16xi32, #tpu.memory_space<vmem>>
    %dma_wait3A_244 = arith.constant 0 : i32
    %dma_wait3A_245 = arith.constant 0 : i32
    %dma_wait3A_246 = arith.constant 0 : i32
    %dma_wait3A_247 = tpu.memref_slice %arg5[%dma_wait3A_244, %dma_wait3A_245, %dma_wait3A_246] : memref<8192x16x128xf32, #tpu.memory_space<hbm>> -> memref<8192x16x128xf32, #tpu.memory_space<hbm>>
    tpu.wait_indirect_dma semaphore(%arg11 : memref<!tpu.dma_semaphore, #tpu.memory_space<semaphore_mem>>) src(%dma_wait3A_240 : memref<16x16x128xf32, #tpu.memory_space<vmem>>) dst(%dma_wait3A_247 : memref<8192x16x128xf32, #tpu.memory_space<hbm>>)
    %run_scoped3A_248 = arith.constant 0 : i32
    "tpu.region"() ({
      %run_scoped3A_320 = tpu.sem_alloc : memref<!tpu.dma_semaphore, #tpu.memory_space<semaphore_mem>>
      %dma_start3A_321 = arith.constant 0 : i32
      %dma_start3A_322 = arith.constant 0 : i32
      %dma_start3A_323 = arith.constant 0 : i32
      %dma_start3A_324 = tpu.memref_slice %arg10[%run_scoped3A_248, %dma_start3A_321, %dma_start3A_322, %dma_start3A_323] : memref<2x16x16x128xf32, #tpu.memory_space<vmem>> -> memref<1x16x16x128xf32, #tpu.memory_space<vmem>>
      %dma_start3A_325 = tpu.memref_squeeze %dma_start3A_324 : memref<1x16x16x128xf32, #tpu.memory_space<vmem>> -> memref<16x16x128xf32, #tpu.memory_space<vmem>>
      %dma_start3A_326 = arith.constant 0 : i32
      %dma_start3A_327 = arith.constant 0 : i32
      %dma_start3A_328 = tpu.memref_slice %arg2[%add3A_233, %dma_start3A_326, %dma_start3A_327] : memref<2048x16x128xf32, #tpu.memory_space<hbm>> -> memref<16x16x128xf32, #tpu.memory_space<hbm>>
      %dma_start3A_329 = arith.constant 0 : i32
      %dma_start3A_330 = arith.constant 0 : i32
      %dma_start3A_331 = arith.constant 0 : i32
      %dma_start3A_332 = tpu.memref_slice %arg10[%run_scoped3A_248, %dma_start3A_329, %dma_start3A_330, %dma_start3A_331] : memref<2x16x16x128xf32, #tpu.memory_space<vmem>> -> memref<1x16x16x128xf32, #tpu.memory_space<vmem>>
      %dma_start3A_333 = tpu.memref_squeeze %dma_start3A_332 : memref<1x16x16x128xf32, #tpu.memory_space<vmem>> -> memref<16x16x128xf32, #tpu.memory_space<vmem>>
      %dma_start3A_334 = arith.constant 0 : i32
      %dma_start3A_335 = arith.constant 0 : i32
      %dma_start3A_336 = tpu.memref_slice %arg2[%add3A_233, %dma_start3A_334, %dma_start3A_335] : memref<2048x16x128xf32, #tpu.memory_space<hbm>> -> memref<16x16x128xf32, #tpu.memory_space<hbm>>
      tpu.enqueue_dma source(%dma_start3A_336 : memref<16x16x128xf32, #tpu.memory_space<hbm>>) target(%dma_start3A_333 : memref<16x16x128xf32, #tpu.memory_space<vmem>>) target_semaphore(%run_scoped3A_320 : memref<!tpu.dma_semaphore, #tpu.memory_space<semaphore_mem>>)
      %dma_wait3A_337 = arith.constant 0 : i32
      %dma_wait3A_338 = arith.constant 0 : i32
      %dma_wait3A_339 = arith.constant 0 : i32
      %dma_wait3A_340 = tpu.memref_slice %arg10[%run_scoped3A_248, %dma_wait3A_337, %dma_wait3A_338, %dma_wait3A_339] : memref<2x16x16x128xf32, #tpu.memory_space<vmem>> -> memref<1x16x16x128xf32, #tpu.memory_space<vmem>>
      %dma_wait3A_341 = tpu.memref_squeeze %dma_wait3A_340 : memref<1x16x16x128xf32, #tpu.memory_space<vmem>> -> memref<16x16x128xf32, #tpu.memory_space<vmem>>
      %dma_wait3A_342 = arith.constant 0 : i32
      %dma_wait3A_343 = arith.constant 0 : i32
      %dma_wait3A_344 = tpu.memref_slice %arg2[%add3A_233, %dma_wait3A_342, %dma_wait3A_343] : memref<2048x16x128xf32, #tpu.memory_space<hbm>> -> memref<16x16x128xf32, #tpu.memory_space<hbm>>
      %dma_wait3A_345 = arith.constant 0 : i32
      %dma_wait3A_346 = arith.constant 0 : i32
      %dma_wait3A_347 = arith.constant 0 : i32
      %dma_wait3A_348 = tpu.memref_slice %arg10[%run_scoped3A_248, %dma_wait3A_345, %dma_wait3A_346, %dma_wait3A_347] : memref<2x16x16x128xf32, #tpu.memory_space<vmem>> -> memref<1x16x16x128xf32, #tpu.memory_space<vmem>>
      %dma_wait3A_349 = tpu.memref_squeeze %dma_wait3A_348 : memref<1x16x16x128xf32, #tpu.memory_space<vmem>> -> memref<16x16x128xf32, #tpu.memory_space<vmem>>
      %dma_wait3A_350 = arith.constant 0 : i32
      %dma_wait3A_351 = arith.constant 0 : i32
      %dma_wait3A_352 = tpu.memref_slice %arg2[%add3A_233, %dma_wait3A_350, %dma_wait3A_351] : memref<2048x16x128xf32, #tpu.memory_space<hbm>> -> memref<16x16x128xf32, #tpu.memory_space<hbm>>
      tpu.wait_dma2 semaphore(%run_scoped3A_320 : memref<!tpu.dma_semaphore, #tpu.memory_space<semaphore_mem>>) src(%dma_wait3A_352 : memref<16x16x128xf32, #tpu.memory_space<hbm>>) dst(%dma_wait3A_349 : memref<16x16x128xf32, #tpu.memory_space<vmem>>)
      tpu.yield
    }) : () -> ()
    %dma_start3A_249 = arith.constant 0 : i32
    %dma_start3A_250 = arith.constant 3 : i32
    %dma_start3A_251 = arith.constant 0 : i32
    %dma_start3A_252 = arith.constant 0 : i32
    %dma_start3A_253 = arith.constant 0 : i32
    %dma_start3A_254 = tpu.memref_slice %arg10[%dma_start3A_249, %dma_start3A_251, %dma_start3A_252, %dma_start3A_253] : memref<2x16x16x128xf32, #tpu.memory_space<vmem>> -> memref<1x16x16x128xf32, #tpu.memory_space<vmem>>
    %dma_start3A_255 = tpu.memref_squeeze %dma_start3A_254 : memref<1x16x16x128xf32, #tpu.memory_space<vmem>> -> memref<16x16x128xf32, #tpu.memory_space<vmem>>
    %dma_start3A_256 = arith.constant 0 : i32
    %dma_start3A_257 = tpu.memref_slice %arg9[%dma_start3A_250, %dma_start3A_256] : memref<4x16xi32, #tpu.memory_space<vmem>> -> memref<1x16xi32, #tpu.memory_space<vmem>>
    %dma_start3A_258 = tpu.memref_squeeze %dma_start3A_257 : memref<1x16xi32, #tpu.memory_space<vmem>> -> memref<16xi32, #tpu.memory_space<vmem>>
    %dma_start3A_259 = arith.constant 0 : i32
    %dma_start3A_260 = arith.constant 0 : i32
    %dma_start3A_261 = arith.constant 0 : i32
    %dma_start3A_262 = tpu.memref_slice %arg5[%dma_start3A_259, %dma_start3A_260, %dma_start3A_261] : memref<8192x16x128xf32, #tpu.memory_space<hbm>> -> memref<8192x16x128xf32, #tpu.memory_space<hbm>>
    tpu.enqueue_indirect_dma source(%dma_start3A_255 : memref<16x16x128xf32, #tpu.memory_space<vmem>>) target(%dma_start3A_262 : memref<8192x16x128xf32, #tpu.memory_space<hbm>>) offsets(%dma_start3A_258 : memref<16xi32, #tpu.memory_space<vmem>>) semaphore(%arg11 : memref<!tpu.dma_semaphore, #tpu.memory_space<semaphore_mem>>)
    %dma_wait3A_263 = arith.constant 1 : i32
    %dma_wait3A_264 = arith.constant 2 : i32
    %dma_wait3A_265 = arith.constant 0 : i32
    %dma_wait3A_266 = arith.constant 0 : i32
    %dma_wait3A_267 = arith.constant 0 : i32
    %dma_wait3A_268 = tpu.memref_slice %arg10[%dma_wait3A_263, %dma_wait3A_265, %dma_wait3A_266, %dma_wait3A_267] : memref<2x16x16x128xf32, #tpu.memory_space<vmem>> -> memref<1x16x16x128xf32, #tpu.memory_space<vmem>>
    %dma_wait3A_269 = tpu.memref_squeeze %dma_wait3A_268 : memref<1x16x16x128xf32, #tpu.memory_space<vmem>> -> memref<16x16x128xf32, #tpu.memory_space<vmem>>
    %dma_wait3A_270 = arith.constant 0 : i32
    %dma_wait3A_271 = tpu.memref_slice %arg9[%dma_wait3A_264, %dma_wait3A_270] : memref<4x16xi32, #tpu.memory_space<vmem>> -> memref<1x16xi32, #tpu.memory_space<vmem>>
    %dma_wait3A_272 = tpu.memref_squeeze %dma_wait3A_271 : memref<1x16xi32, #tpu.memory_space<vmem>> -> memref<16xi32, #tpu.memory_space<vmem>>
    %dma_wait3A_273 = arith.constant 0 : i32
    %dma_wait3A_274 = arith.constant 0 : i32
    %dma_wait3A_275 = arith.constant 0 : i32
    %dma_wait3A_276 = tpu.memref_slice %arg6[%dma_wait3A_273, %dma_wait3A_274, %dma_wait3A_275] : memref<8192x16x128xf32, #tpu.memory_space<hbm>> -> memref<8192x16x128xf32, #tpu.memory_space<hbm>>
    tpu.wait_indirect_dma semaphore(%arg12 : memref<!tpu.dma_semaphore, #tpu.memory_space<semaphore_mem>>) src(%dma_wait3A_269 : memref<16x16x128xf32, #tpu.memory_space<vmem>>) dst(%dma_wait3A_276 : memref<8192x16x128xf32, #tpu.memory_space<hbm>>)
    %run_scoped3A_277 = arith.constant 1 : i32
    "tpu.region"() ({
      %run_scoped3A_320 = tpu.sem_alloc : memref<!tpu.dma_semaphore, #tpu.memory_space<semaphore_mem>>
      %dma_start3A_321 = arith.constant 0 : i32
      %dma_start3A_322 = arith.constant 0 : i32
      %dma_start3A_323 = arith.constant 0 : i32
      %dma_start3A_324 = tpu.memref_slice %arg10[%run_scoped3A_277, %dma_start3A_321, %dma_start3A_322, %dma_start3A_323] : memref<2x16x16x128xf32, #tpu.memory_space<vmem>> -> memref<1x16x16x128xf32, #tpu.memory_space<vmem>>
      %dma_start3A_325 = tpu.memref_squeeze %dma_start3A_324 : memref<1x16x16x128xf32, #tpu.memory_space<vmem>> -> memref<16x16x128xf32, #tpu.memory_space<vmem>>
      %dma_start3A_326 = arith.constant 0 : i32
      %dma_start3A_327 = arith.constant 0 : i32
      %dma_start3A_328 = tpu.memref_slice %arg3[%add3A_233, %dma_start3A_326, %dma_start3A_327] : memref<2048x16x128xf32, #tpu.memory_space<hbm>> -> memref<16x16x128xf32, #tpu.memory_space<hbm>>
      %dma_start3A_329 = arith.constant 0 : i32
      %dma_start3A_330 = arith.constant 0 : i32
      %dma_start3A_331 = arith.constant 0 : i32
      %dma_start3A_332 = tpu.memref_slice %arg10[%run_scoped3A_277, %dma_start3A_329, %dma_start3A_330, %dma_start3A_331] : memref<2x16x16x128xf32, #tpu.memory_space<vmem>> -> memref<1x16x16x128xf32, #tpu.memory_space<vmem>>
      %dma_start3A_333 = tpu.memref_squeeze %dma_start3A_332 : memref<1x16x16x128xf32, #tpu.memory_space<vmem>> -> memref<16x16x128xf32, #tpu.memory_space<vmem>>
      %dma_start3A_334 = arith.constant 0 : i32
      %dma_start3A_335 = arith.constant 0 : i32
      %dma_start3A_336 = tpu.memref_slice %arg3[%add3A_233, %dma_start3A_334, %dma_start3A_335] : memref<2048x16x128xf32, #tpu.memory_space<hbm>> -> memref<16x16x128xf32, #tpu.memory_space<hbm>>
      tpu.enqueue_dma source(%dma_start3A_336 : memref<16x16x128xf32, #tpu.memory_space<hbm>>) target(%dma_start3A_333 : memref<16x16x128xf32, #tpu.memory_space<vmem>>) target_semaphore(%run_scoped3A_320 : memref<!tpu.dma_semaphore, #tpu.memory_space<semaphore_mem>>)
      %dma_wait3A_337 = arith.constant 0 : i32
      %dma_wait3A_338 = arith.constant 0 : i32
      %dma_wait3A_339 = arith.constant 0 : i32
      %dma_wait3A_340 = tpu.memref_slice %arg10[%run_scoped3A_277, %dma_wait3A_337, %dma_wait3A_338, %dma_wait3A_339] : memref<2x16x16x128xf32, #tpu.memory_space<vmem>> -> memref<1x16x16x128xf32, #tpu.memory_space<vmem>>
      %dma_wait3A_341 = tpu.memref_squeeze %dma_wait3A_340 : memref<1x16x16x128xf32, #tpu.memory_space<vmem>> -> memref<16x16x128xf32, #tpu.memory_space<vmem>>
      %dma_wait3A_342 = arith.constant 0 : i32
      %dma_wait3A_343 = arith.constant 0 : i32
      %dma_wait3A_344 = tpu.memref_slice %arg3[%add3A_233, %dma_wait3A_342, %dma_wait3A_343] : memref<2048x16x128xf32, #tpu.memory_space<hbm>> -> memref<16x16x128xf32, #tpu.memory_space<hbm>>
      %dma_wait3A_345 = arith.constant 0 : i32
      %dma_wait3A_346 = arith.constant 0 : i32
      %dma_wait3A_347 = arith.constant 0 : i32
      %dma_wait3A_348 = tpu.memref_slice %arg10[%run_scoped3A_277, %dma_wait3A_345, %dma_wait3A_346, %dma_wait3A_347] : memref<2x16x16x128xf32, #tpu.memory_space<vmem>> -> memref<1x16x16x128xf32, #tpu.memory_space<vmem>>
      %dma_wait3A_349 = tpu.memref_squeeze %dma_wait3A_348 : memref<1x16x16x128xf32, #tpu.memory_space<vmem>> -> memref<16x16x128xf32, #tpu.memory_space<vmem>>
      %dma_wait3A_350 = arith.constant 0 : i32
      %dma_wait3A_351 = arith.constant 0 : i32
      %dma_wait3A_352 = tpu.memref_slice %arg3[%add3A_233, %dma_wait3A_350, %dma_wait3A_351] : memref<2048x16x128xf32, #tpu.memory_space<hbm>> -> memref<16x16x128xf32, #tpu.memory_space<hbm>>
      tpu.wait_dma2 semaphore(%run_scoped3A_320 : memref<!tpu.dma_semaphore, #tpu.memory_space<semaphore_mem>>) src(%dma_wait3A_352 : memref<16x16x128xf32, #tpu.memory_space<hbm>>) dst(%dma_wait3A_349 : memref<16x16x128xf32, #tpu.memory_space<vmem>>)
      tpu.yield
    }) : () -> ()
    %dma_start3A_278 = arith.constant 1 : i32
    %dma_start3A_279 = arith.constant 3 : i32
    %dma_start3A_280 = arith.constant 0 : i32
    %dma_start3A_281 = arith.constant 0 : i32
    %dma_start3A_282 = arith.constant 0 : i32
    %dma_start3A_283 = tpu.memref_slice %arg10[%dma_start3A_278, %dma_start3A_280, %dma_start3A_281, %dma_start3A_282] : memref<2x16x16x128xf32, #tpu.memory_space<vmem>> -> memref<1x16x16x128xf32, #tpu.memory_space<vmem>>
    %dma_start3A_284 = tpu.memref_squeeze %dma_start3A_283 : memref<1x16x16x128xf32, #tpu.memory_space<vmem>> -> memref<16x16x128xf32, #tpu.memory_space<vmem>>
    %dma_start3A_285 = arith.constant 0 : i32
    %dma_start3A_286 = tpu.memref_slice %arg9[%dma_start3A_279, %dma_start3A_285] : memref<4x16xi32, #tpu.memory_space<vmem>> -> memref<1x16xi32, #tpu.memory_space<vmem>>
    %dma_start3A_287 = tpu.memref_squeeze %dma_start3A_286 : memref<1x16xi32, #tpu.memory_space<vmem>> -> memref<16xi32, #tpu.memory_space<vmem>>
    %dma_start3A_288 = arith.constant 0 : i32
    %dma_start3A_289 = arith.constant 0 : i32
    %dma_start3A_290 = arith.constant 0 : i32
    %dma_start3A_291 = tpu.memref_slice %arg6[%dma_start3A_288, %dma_start3A_289, %dma_start3A_290] : memref<8192x16x128xf32, #tpu.memory_space<hbm>> -> memref<8192x16x128xf32, #tpu.memory_space<hbm>>
    tpu.enqueue_indirect_dma source(%dma_start3A_284 : memref<16x16x128xf32, #tpu.memory_space<vmem>>) target(%dma_start3A_291 : memref<8192x16x128xf32, #tpu.memory_space<hbm>>) offsets(%dma_start3A_287 : memref<16xi32, #tpu.memory_space<vmem>>) semaphore(%arg12 : memref<!tpu.dma_semaphore, #tpu.memory_space<semaphore_mem>>)
    %dma_wait3A_292 = arith.constant 0 : i32
    %dma_wait3A_293 = arith.constant 3 : i32
    %dma_wait3A_294 = arith.constant 0 : i32
    %dma_wait3A_295 = arith.constant 0 : i32
    %dma_wait3A_296 = arith.constant 0 : i32
    %dma_wait3A_297 = tpu.memref_slice %arg10[%dma_wait3A_292, %dma_wait3A_294, %dma_wait3A_295, %dma_wait3A_296] : memref<2x16x16x128xf32, #tpu.memory_space<vmem>> -> memref<1x16x16x128xf32, #tpu.memory_space<vmem>>
    %dma_wait3A_298 = tpu.memref_squeeze %dma_wait3A_297 : memref<1x16x16x128xf32, #tpu.memory_space<vmem>> -> memref<16x16x128xf32, #tpu.memory_space<vmem>>
    %dma_wait3A_299 = arith.constant 0 : i32
    %dma_wait3A_300 = tpu.memref_slice %arg9[%dma_wait3A_293, %dma_wait3A_299] : memref<4x16xi32, #tpu.memory_space<vmem>> -> memref<1x16xi32, #tpu.memory_space<vmem>>
    %dma_wait3A_301 = tpu.memref_squeeze %dma_wait3A_300 : memref<1x16xi32, #tpu.memory_space<vmem>> -> memref<16xi32, #tpu.memory_space<vmem>>
    %dma_wait3A_302 = arith.constant 0 : i32
    %dma_wait3A_303 = arith.constant 0 : i32
    %dma_wait3A_304 = arith.constant 0 : i32
    %dma_wait3A_305 = tpu.memref_slice %arg5[%dma_wait3A_302, %dma_wait3A_303, %dma_wait3A_304] : memref<8192x16x128xf32, #tpu.memory_space<hbm>> -> memref<8192x16x128xf32, #tpu.memory_space<hbm>>
    tpu.wait_indirect_dma semaphore(%arg11 : memref<!tpu.dma_semaphore, #tpu.memory_space<semaphore_mem>>) src(%dma_wait3A_298 : memref<16x16x128xf32, #tpu.memory_space<vmem>>) dst(%dma_wait3A_305 : memref<8192x16x128xf32, #tpu.memory_space<hbm>>)
    %dma_wait3A_306 = arith.constant 1 : i32
    %dma_wait3A_307 = arith.constant 3 : i32
    %dma_wait3A_308 = arith.constant 0 : i32
    %dma_wait3A_309 = arith.constant 0 : i32
    %dma_wait3A_310 = arith.constant 0 : i32
    %dma_wait3A_311 = tpu.memref_slice %arg10[%dma_wait3A_306, %dma_wait3A_308, %dma_wait3A_309, %dma_wait3A_310] : memref<2x16x16x128xf32, #tpu.memory_space<vmem>> -> memref<1x16x16x128xf32, #tpu.memory_space<vmem>>
    %dma_wait3A_312 = tpu.memref_squeeze %dma_wait3A_311 : memref<1x16x16x128xf32, #tpu.memory_space<vmem>> -> memref<16x16x128xf32, #tpu.memory_space<vmem>>
    %dma_wait3A_313 = arith.constant 0 : i32
    %dma_wait3A_314 = tpu.memref_slice %arg9[%dma_wait3A_307, %dma_wait3A_313] : memref<4x16xi32, #tpu.memory_space<vmem>> -> memref<1x16xi32, #tpu.memory_space<vmem>>
    %dma_wait3A_315 = tpu.memref_squeeze %dma_wait3A_314 : memref<1x16xi32, #tpu.memory_space<vmem>> -> memref<16xi32, #tpu.memory_space<vmem>>
    %dma_wait3A_316 = arith.constant 0 : i32
    %dma_wait3A_317 = arith.constant 0 : i32
    %dma_wait3A_318 = arith.constant 0 : i32
    %dma_wait3A_319 = tpu.memref_slice %arg6[%dma_wait3A_316, %dma_wait3A_317, %dma_wait3A_318] : memref<8192x16x128xf32, #tpu.memory_space<hbm>> -> memref<8192x16x128xf32, #tpu.memory_space<hbm>>
    tpu.wait_indirect_dma semaphore(%arg12 : memref<!tpu.dma_semaphore, #tpu.memory_space<semaphore_mem>>) src(%dma_wait3A_312 : memref<16x16x128xf32, #tpu.memory_space<vmem>>) dst(%dma_wait3A_319 : memref<8192x16x128xf32, #tpu.memory_space<hbm>>)
    return
  }
}

</mosaic_0001>

<sc_bundles>
// kernel: kernel.3.cloned.1.call-start
scs
__scs_entry_jumppad:
0x0: {  	(pc) =	sbr.rel $0x88, $3  }
0x1: {  	(tag) =	ssettag $0x0;
	lr =	simm.s32 $0x1  }
0x2: {  	[smem:$0x3F9C] =	sst lr;
	_ =	strace $0xD0000000  }
0x3: {  	_ = 	snop  }
0x4: {  	_ = 	snop  }
0x5: {  	_ = 	snop  }
0x6: {  	_ = 	snop  }
0x7: {  	_ = 	snop  }
__scs_overlays_trampoline_lowered:
0x8: {  	[smem:$0x3FAB] =	sst s0  }
0x9: {  	[smem:$0x3FAC] =	sst s1  }
0xa: {  	[smem:$0x3FAD] =	sst s2  }
0xb: {  	[smem:$0x3FAE] =	sst s3  }
0xc: {  	[smem:$0x3FAF] =	sst s4  }
0xd: {  	[smem:$0x3FB0] =	sst s5  }
0xe: {  	[smem:$0x3FB1] =	sst s6  }
0xf: {  	[smem:$0x3FB2] =	sst s7  }
0x10: {  	[smem:$0x3FB3] =	sst s8  }
0x11: {  	[smem:$0x3FB4] =	sst s9;
	s0 =	simm.s32 @!p0 $0x0  }
0x12: {  	s1 =	sld [smem:$0x3F9A];
	s0 =	simm.s32 @p0 $0x1  }
0x13: {  	[smem:$0x3FB5] =	sst s0;
	s0 =	simm.s32 @!p1 $0x0  }
0x14: {  	s2 =	sld [smem:$0x3F99];
	s0 =	simm.s32 @p1 $0x1  }
0x15: {  	[smem:$0x3FB6] =	sst s0;
	s0 =	simm.s32 @!p2 $0x0  }
0x16: {  	s3 =	sld [smem:$0x3FDB];
	s0 =	simm.s32 @p2 $0x1  }
0x17: {  	s4 =	simm.s32 $0x1BF5;
	[smem:$0x3FB8] =	sst s0  }
0x18: {  	s0 =	sld [smem:$0x3F9B];
	_ =	swait.ge [sflag:s4], $0x0  }
0x19: {  	s7 =	sld [smem:$0x3F9C]  }
0x1a: {  	s8 =	sadd.s32 $0xFFFFE003, lr  }
0x1b: {  	s9 =	sadd.s32 $0xFFFFFEF7, lr;
	s5 =	simm.s32 $0xFFFFFFFF;
	p2 =	slt.u32 s8, $0xFFFFF086  }
0x1c: {  	p1 =	slt.u32 s9, $0xF7A;
	s5 =	simm.s32 @!p2 $0x0  }
0x1d: {  	s5 =	simm.s32 @p1 $0x1;
	p0 =	seq.s32 s7, s2  }
0x1e: {  	s7 =	smul.u32 @!p0 $0xF7A, s2;
	p2 =	seq.s32 @!p0 s5, $0x0  }
0x1f: {  	s9 =	smul.u32 $0xF7A, s1;
	s8 =	simm.s32 @!p0 $0x1BF5;
	p2 =	por !p2, p0  }
0x20: {  	[sflag:s8] =	ssyncset.s32 @!p0 $0xFFFFF086;
	s6 =	sadd.s32 @!p0 s3, s7;
	s7 =	simm.s32 @!p0 $0x108  }
0x21: {  	s3 =	sadd.s32 s3, s9;
	s6 =	sadd.s32 @!p0 $0x88, s6;
	s7 =	simm.s32 @p2 $0x1082  }
0x22: {  	[simem:s7], [sflag:s8] =	dma.local @!p0 [hbm:s6], $0xF7A  }
0x23: {  	s9 =	sor.u32 $0xD0000000, s2;
	s6 =	simm.s32 $0x108;
	_ =	swait.ge @!p0 [sflag:s8], $0x0  }
0x24: {  	s3 =	sadd.s32 $0x88, s3;
	s6 =	simm.s32 @!p1 $0x1082;
	[sflag:s4] =	ssyncset.s32 $0xFFFFF086  }
0x25: {  	[simem:s6], [sflag:s4] =	dma.local [hbm:s3], $0xF7A  }
0x26: {  	[smem:$0x3F9C] =	sst s1;
	(tag) =	ssettag s2;
	_ =	strace s9  }
0x27: {  	s1 =	sld [smem:$0x3FAC]  }
0x28: {  	s2 =	sld [smem:$0x3FAD]  }
0x29: {  	s4 =	sld [smem:$0x3FAF]  }
0x2a: {  	p0 =	seq.s32 s5, $0x0;
	s5 =	sld [smem:$0x3FB0]  }
0x2b: {  	s6 =	sld [smem:$0x3FB1]  }
0x2c: {  	s7 =	sld [smem:$0x3FB2]  }
0x2d: {  	s3 =	simm.s32 $0x108;
	s8 =	sld [smem:$0x3FB3]  }
0x2e: {  	s3 =	simm.s32 @!p0 $0x1082;
	s9 =	sld [smem:$0x3FB4]  }
0x2f: {  	lr =	sadd.s32 s0, s3;
	s0 =	sld [smem:$0x3FAB]  }
0x30: {  	s3 =	sld [smem:$0x3FAE]  }
0x31: {  	[smem:$0x3FB7] =	sst s10  }
0x32: {  	s10 =	sld [smem:$0x3FB5];
	_ =	sdelay $0x3  }
0x33: {  	p0 =	seq.s32 s10, $0x1;
	s10 =	sld [smem:$0x3FB7];
	_ =	sdelay $0x3  }
0x34: {  	[smem:$0x3FB7] =	sst s10  }
0x35: {  	s10 =	sld [smem:$0x3FB6];
	_ =	sdelay $0x3  }
0x36: {  	p1 =	seq.s32 s10, $0x1;
	s10 =	sld [smem:$0x3FB7];
	_ =	sdelay $0x3  }
0x37: {  	[smem:$0x3FB7] =	sst s10  }
0x38: {  	s10 =	sld [smem:$0x3FB8]  }
0x39: {  	_ = 	snop;
	(pc) =	sbr.ind lr, $3  }
0x3a: {  	_ = 	snop  }
0x3b: {  	_ = 	snop  }
0x3c: {  	p2 =	seq.s32 s10, $0x1;
	s10 =	sld [smem:$0x3FB7]  }
0x3d: {  	_ =	shalt  }
0x3e: {  	_ =	shalt  }
0x3f: {  	_ =	shalt  }
0x40: {  	_ =	shalt  }
0x41: {  	_ =	shalt  }
0x42: {  	_ =	shalt  }
0x43: {  	_ =	shalt  }
0x44: {  	_ =	shalt  }
0x45: {  	_ =	shalt  }
0x46: {  	_ =	shalt  }
0x47: {  	_ =	shalt  }
0x48: {  	_ =	shalt  }
0x49: {  	_ =	shalt  }
0x4a: {  	_ =	shalt  }
0x4b: {  	_ =	shalt  }
0x4c: {  	_ =	shalt  }
0x4d: {  	_ =	shalt  }
0x4e: {  	_ =	shalt  }
0x4f: {  	_ =	shalt  }
0x50: {  	_ =	shalt  }
0x51: {  	_ =	shalt  }
0x52: {  	_ =	shalt  }
0x53: {  	_ =	shalt  }
0x54: {  	_ =	shalt  }
0x55: {  	_ =	shalt  }
0x56: {  	_ =	shalt  }
0x57: {  	_ =	shalt  }
0x58: {  	_ =	shalt  }
0x59: {  	_ =	shalt  }
0x5a: {  	_ =	shalt  }
0x5b: {  	_ =	shalt  }
0x5c: {  	_ =	shalt  }
0x5d: {  	_ =	shalt  }
0x5e: {  	_ =	shalt  }
0x5f: {  	_ =	shalt  }
0x60: {  	_ =	shalt  }
0x61: {  	_ =	shalt  }
0x62: {  	_ =	shalt  }
0x63: {  	_ =	shalt  }
0x64: {  	_ =	shalt  }
0x65: {  	_ =	shalt  }
0x66: {  	_ =	shalt  }
0x67: {  	_ =	shalt  }
0x68: {  	_ =	shalt  }
0x69: {  	_ =	shalt  }
0x6a: {  	_ =	shalt  }
0x6b: {  	_ =	shalt  }
0x6c: {  	_ =	shalt  }
0x6d: {  	_ =	shalt  }
0x6e: {  	_ =	shalt  }
0x6f: {  	_ =	shalt  }
0x70: {  	_ =	shalt  }
0x71: {  	_ =	shalt  }
0x72: {  	_ =	shalt  }
0x73: {  	_ =	shalt  }
0x74: {  	_ =	shalt  }
0x75: {  	_ =	shalt  }
0x76: {  	_ =	shalt  }
0x77: {  	_ =	shalt  }
0x78: {  	_ =	shalt  }
0x79: {  	_ =	shalt  }
0x7a: {  	_ =	shalt  }
0x7b: {  	_ =	shalt  }
0x7c: {  	_ =	shalt  }
0x7d: {  	_ =	shalt  }
0x7e: {  	_ =	shalt  }
0x7f: {  	_ =	shalt  }
0x80: {  	_ =	shalt  }
0x81: {  	_ =	shalt  }
0x82: {  	_ =	shalt  }
0x83: {  	_ =	shalt  }
0x84: {  	_ =	shalt  }
0x85: {  	_ =	shalt  }
0x86: {  	_ =	shalt  }
0x87: {  	_ =	shalt  }
.Lfunc_end0:
.L_simem_size_0:
called_computation_lowered:
.L_overlay_start_0:
0x88: {  	s2 =	sld [smem:$0x3FD9]  }
0x89: {  	s3 =	sld [smem:$0x3FFE];
	_ =	sdelay $0x1  }
0x8a: {  	s1 =	srdreg.scid  }
0x8b: {  	s0 =	sand.u32 $0x1, s1  }
0x8c: {  	s15 =	sshll.u32 s0, $0xA;
	s2 =	sadd.s32 s3, s2  }
0x8d: {  	s2 =	sadd.s32 s2, s15  }
0x8e: {  	[smem:$0x3FC3] =	sst s2  }
0x8f: {  	_ = 	snop  }
0x90: {  	s2 =	sld [smem:$0x3FD0]  }
0x91: {  	s16 =	sld [smem:$0x3FC9]  }
0x92: {  	s4 =	sld [smem:$0x3FC7]  }
0x93: {  	s6 =	simm.s32 $0xA;
	s7 =	simm.s32 $0x10;
	s5 =	sld [smem:$0x3FC6]  }
0x94: {  	[smem:s7], [sflag:s6] =	dma.local [hbm:s2], $0x1  }
0x95: {  	_ =	swait.eq [sflag:s6], $0x1  }
0x96: {  	[sflag:s6] =	ssyncset.done $0x0  }
0x97: {  	s17 =	sld [smem:$0x10];
	[sflag:s6] =	ssyncadd.s32 $0xFFFFFFFF  }
0x98: {  	s18 =	sld [smem:$0x11];
	(tm) =	ssettm $0x1  }
0x99: {  	s19 =	sld [smem:$0x3FFB];
	_ =	sdelay $0x3  }
0x9a: {  	_ =	strace s19  }
0x9b: {  	s7 =	sld [smem:$0x3FFC];
	_ =	sdelay $0x3  }
0x9c: {  	_ =	strace s7  }
0x9d: {  	s7 =	sld [smem:$0x3FFD];
	_ =	sdelay $0x3  }
0x9e: {  	_ =	strace s7  }
0x9f: {  	_ =	strace $0x8FFFFFFF  }
0xa0: {  	s20 =	sld [smem:$0x3FDB];
	_ =	sdelay $0x1  }
0xa1: {  	s8 =	simm.s32 $_scs_section_size  }
0xa2: {  	s9 =	simm.s32 $_size__tile_overlayer_lowered;
	s10 =	simm.s32 $_tile_overlayer_lowered  }
0xa3: {  	s23 =	simm.s32 $0x1BFF;
	s22 =	sshll.u32 s10, $0x1;
	s7 =	sadd.s32 s8, s20  }
0xa4: {  	s11 =	simm.s32 $0x0;
	s21 =	sshll.u32 s9, $0x1;
	s9 =	sadd.s32 s22, s7  }
0xa5: {  	[timem:s11], [sflag:s23] =	dma.local [hbm:s9], s21  }
0xa6: {  	_ =	swait.ge [sflag:s23], s21  }
0xa7: {  	s8 =	ssub.s32 $0x0, s21;
	[sflag:s23] =	ssyncset.done $0x0  }
0xa8: {  	[sflag:s23] =	ssyncadd.s32 s8;
	_ =	sdelay $0x1  }
0xa9: {  	s24 =	simm.s32 $0x1B8B  }
0xaa: {  	_ =	swait.ge [sflag:s24], $0x1  }
0xab: {  	[sflag:s24] =	ssyncset.done $0x0  }
0xac: {  	s25 =	simm.s32 $0x1B8E;
	[sflag:s24] =	ssyncadd.s32 $0xFFFFFFFF  }
0xad: {  	s26 =	simm.s32 $execute0_lowered;
	[smem:$0x3FD2] =	sst s25  }
0xae: {  	s8 =	sshll.u32 s26, $0x1;
	_ =	strace $0x80000046;
	[dreg:$0x1] =	wrdreg $0xFFFFFFFF  }
0xaf: {  	s28 =	simm.s32 $_size_execute0_lowered;
	s7 =	sadd.s32 s7, s8;
	[dreg:$0x0] =	wrdreg $0x0  }
0xb0: {  	s8 =	sshll.u32 s28, $0x1;
	[dreg:$0x2] =	wrdreg s7  }
0xb1: {  	[dreg:$0x3] =	wrdreg s8  }
0xb2: {  	[dreg:$0x4] =	wrdreg $0xC0  }
0xb3: {  	_ =	task [dreg:s11], $0x5FFFF  }
0xb4: {  	[dreg:$0x1] =	wrdreg $0xFFFFFFFF  }
0xb5: {  	[dreg:$0x0] =	wrdreg $0x60  }
0xb6: {  	[dreg:$0x2] =	wrdreg s16  }
0xb7: {  	[dreg:$0x3] =	wrdreg s5  }
0xb8: {  	[dreg:$0x4] =	wrdreg s4  }
0xb9: {  	[dreg:$0x5] =	wrdreg s17  }
0xba: {  	[dreg:$0x6] =	wrdreg s18  }
0xbb: {  	[dreg:$0x7] =	wrdreg $0x9  }
0xbc: {  	_ =	task.clear_ibuf [dreg:s11], $0x8FFFF;
	_ =	strace $0x90000046  }
0xbd: {  	s29 =	simm.s32 $0x9;
	_ =	strace $0x80000048  }
0xbe: {  	_ =	swait.ge [sflag:s29], $0x1  }
0xbf: {  	[sflag:s29] =	ssyncadd.s32 $0xFFFFFFFF  }
0xc0: {  	_ =	strace $0x90000048  }
0xc1: {  	_ =	sfence  }
0xc2: {  	s30 =	sld [smem:$0x0];
	_ =	sdelay $0x2  }
0xc3: {  	s31 =	sshll.u32 s1, $0xD;
	s1 =	sshrl.u32 s1, $0x2  }
0xc4: {  	s3 =	sand.u32 $0x4000, s31;
	s1 =	sadd.s32 s1, s30  }
0xc5: {  	s0 =	sor.u32 s3, s0;
	s1 =	sshll.u32 s1, $0x11  }
0xc6: {  	s0 =	sor.u32 s1, s0  }
0xc7: {  	s0 =	sadd.s32 $0x8F2B, s0  }
0xc8: {  	[sflag:s0] =	ssyncadd.remote.s32 $0x1  }
0xc9: {  	_ =	sfence.sel $0xFFFF  }
0xca: {  	[dreg:$0x0] =	wrdreg $0xFFFFFFFF;
	(pc) =	sbr.abs _section_cstart, $3  }
0xcb: {  	[dreg:$0x1] =	wrdreg $0xFFFFFFFF  }
0xcc: {  	_ =	task.clear_ibuf [dreg:s11], $0x2FFFF;
	_ =	strace $0x9FFFFFFF  }
0xcd: {  	(tm) =	ssettm $0x7FFFFFFF  }
tec
execute0_lowered:
.L_overlay_start_1:
0x0: {  	(tag) =	ssettag $0x1  }
0x1: {  	s24 =	rddreg [dreg:$0x0]  }
0x2: {  	s25 =	rddreg [dreg:$0x1]  }
0x3: {  	s10 =	rddreg [dreg:$0x2];
	s1 =	srdreg.scid  }
0x4: {  	s2 =	rddreg [dreg:$0x3];
	s0 =	stileid.u32  }
0x5: {  	s3 =	rddreg [dreg:$0x4];
	s4 =	simm.s32 $0x0;
	s26 =	sand.u32 $0x1, s1  }
0x6: {  	s5 =	sshll.u32 s0, $0x7;
	s1 =	rddreg [dreg:$0x5];
	s6 =	sshll.u32 s26, $0x6  }
0x7: {  	s7 =	simm.s32 $0x80;
	[smem:$0x7FF] =	sst s4;
	s13 =	sor.u32 s6, s5  }
0x8: {  	_ =	strace $0x80000047;
	s19 =	sor.u32 $0x10, s13;
	s5 =	sshrl.u32 s13, $0x3  }
0x9: {  	s22 =	sor.u32 $0x20, s13;
	s30 =	sshrl.u32 s19, $0x3;
	s5 =	sadd.s32 s10, s5  }
0xa: {  	[tilespmem:s4], [sflag:$0x1] =	stream.linear.gather [hbm4b:s5+s4], $0x10, $0x38;
	[tilespmem:$0x10200] =	vst v63  }
0xb: {  	s28 =	sor.u32 $0x30, s13;
	s8 =	sshrl.u32 s22, $0x3;
	s6 =	sadd.s32 s10, s30  }
0xc: {  	[tilespmem:s7], [sflag:$0x1] =	stream.linear.gather [hbm4b:s6+s4], $0x10, $0x38;
	[tilespmem:$0x10200] =	vst v63  }
0xd: {  	s9 =	simm.s32 $0x100;
	s11 =	sshrl.u32 s28, $0x3;
	s8 =	sadd.s32 s10, s8  }
0xe: {  	[tilespmem:s9], [sflag:$0x1] =	stream.linear.gather [hbm4b:s8+s4], $0x10, $0x38;
	[tilespmem:$0x10200] =	vst v63  }
0xf: {  	s12 =	simm.s32 $0x1;
	s10 =	sadd.s32 s10, s11;
	s11 =	simm.s32 $0x180  }
0x10: {  	[tilespmem:s11], [sflag:$0x1] =	stream.linear.gather [hbm4b:s10+s4], $0x10, $0x38;
	[tilespmem:$0x10200] =	vst v63  }
0x11: {  	_ =	swait.ge [sflag:s12], $0x10  }
0x12: {  	[sflag:s12] =	ssyncset.done $0x0  }
0x13: {  	[sflag:s12] =	ssyncadd.s32 $0xFFFFFFF0  }
0x14: {  	_ =	swait.ge [sflag:s12], $0x10  }
0x15: {  	[sflag:s12] =	ssyncset.done $0x0  }
0x16: {  	[sflag:s12] =	ssyncadd.s32 $0xFFFFFFF0  }
0x17: {  	_ =	swait.ge [sflag:s12], $0x10  }
0x18: {  	[sflag:s12] =	ssyncset.done $0x0  }
0x19: {  	[sflag:s12] =	ssyncadd.s32 $0xFFFFFFF0  }
0x1a: {  	_ =	swait.ge [sflag:s12], $0x10  }
0x1b: {  	s14 =	simm.s32 $0x200;
	s17 =	sshll.u32 s13, $0x8;
	[sflag:s12] =	ssyncset.done $0x0  }
0x1c: {  	s15 =	simm.s32 $0x3;
	s13 =	sadd.s32 s24, s17;
	[sflag:s12] =	ssyncadd.s32 $0xFFFFFFF0  }
0x1d: {  	[tilespmem:s14], [sflag:$0x3] =	stream.linear.gather [hbm4b:s13+s4], $0x8000, $0x38;
	[tilespmem:$0x10200] =	vst v63  }
0x1e: {  	_ =	swait.ge [sflag:s15], $0x8000  }
0x1f: {  	[sflag:s15] =	ssyncset.done $0x0  }
0x20: {  	s16 =	simm.s32 $0x10;
	[sflag:s15] =	ssyncadd.s32 $0xFFFF8000  }
0x21: {  	[hbm4b:s2+s16] =	stream.indirect.scatter [tilespmem:s14], [sflag:$0x1], $0x800, s4, s16, $0xb8;
	[tilespmem:$0x10200] =	vst v63  }
0x22: {  	s18 =	simm.s32 $0x8200;
	s17 =	sadd.s32 s25, s17  }
0x23: {  	[tilespmem:s18], [sflag:$0x3] =	stream.linear.gather [hbm4b:s17+s4], $0x8000, $0x38;
	[tilespmem:$0x10200] =	vst v63  }
0x24: {  	_ =	swait.ge [sflag:s15], $0x8000  }
0x25: {  	[sflag:s15] =	ssyncset.done $0x0  }
0x26: {  	[sflag:s15] =	ssyncadd.s32 $0xFFFF8000  }
0x27: {  	[hbm4b:s3+s16] =	stream.indirect.scatter [tilespmem:s18], [sflag:$0x2], $0x800, s4, s16, $0xb8;
	[tilespmem:$0x10200] =	vst v63  }
0x28: {  	_ =	swait.ge [sflag:s12], $0x8000  }
0x29: {  	s21 =	sshll.u32 s19, $0x8;
	[sflag:s12] =	ssyncset.done $0x0  }
0x2a: {  	s19 =	sadd.s32 s24, s21;
	[sflag:s12] =	ssyncadd.s32 $0xFFFF8000  }
0x2b: {  	[tilespmem:s14], [sflag:$0x3] =	stream.linear.gather [hbm4b:s19+s4], $0x8000, $0x38;
	[tilespmem:$0x10200] =	vst v63  }
0x2c: {  	_ =	swait.ge [sflag:s15], $0x8000  }
0x2d: {  	[sflag:s15] =	ssyncset.done $0x0  }
0x2e: {  	s20 =	simm.s32 $0x2;
	[sflag:s15] =	ssyncadd.s32 $0xFFFF8000  }
0x2f: {  	[hbm4b:s2+s16] =	stream.indirect.scatter [tilespmem:s14], [sflag:$0x1], $0x800, s7, s16, $0xb8;
	[tilespmem:$0x10200] =	vst v63  }
0x30: {  	_ =	swait.ge [sflag:s20], $0x8000  }
0x31: {  	[sflag:s20] =	ssyncset.done $0x0  }
0x32: {  	s21 =	sadd.s32 s25, s21;
	[sflag:s20] =	ssyncadd.s32 $0xFFFF8000  }
0x33: {  	[tilespmem:s18], [sflag:$0x3] =	stream.linear.gather [hbm4b:s21+s4], $0x8000, $0x38;
	[tilespmem:$0x10200] =	vst v63  }
0x34: {  	_ =	swait.ge [sflag:s15], $0x8000  }
0x35: {  	[sflag:s15] =	ssyncset.done $0x0  }
0x36: {  	[sflag:s15] =	ssyncadd.s32 $0xFFFF8000  }
0x37: {  	[hbm4b:s3+s16] =	stream.indirect.scatter [tilespmem:s18], [sflag:$0x2], $0x800, s7, s16, $0xb8;
	[tilespmem:$0x10200] =	vst v63  }
0x38: {  	_ =	swait.ge [sflag:s12], $0x8000  }
0x39: {  	s23 =	sshll.u32 s22, $0x8;
	[sflag:s12] =	ssyncset.done $0x0  }
0x3a: {  	s22 =	sadd.s32 s24, s23;
	[sflag:s12] =	ssyncadd.s32 $0xFFFF8000  }
0x3b: {  	[tilespmem:s14], [sflag:$0x3] =	stream.linear.gather [hbm4b:s22+s4], $0x8000, $0x38;
	[tilespmem:$0x10200] =	vst v63  }
0x3c: {  	_ =	swait.ge [sflag:s15], $0x8000  }
0x3d: {  	[sflag:s15] =	ssyncset.done $0x0  }
0x3e: {  	[sflag:s15] =	ssyncadd.s32 $0xFFFF8000  }
0x3f: {  	[hbm4b:s2+s16] =	stream.indirect.scatter [tilespmem:s14], [sflag:$0x1], $0x800, s9, s16, $0xb8;
	[tilespmem:$0x10200] =	vst v63  }
0x40: {  	_ =	swait.ge [sflag:s20], $0x8000  }
0x41: {  	[sflag:s20] =	ssyncset.done $0x0  }
0x42: {  	s23 =	sadd.s32 s25, s23;
	[sflag:s20] =	ssyncadd.s32 $0xFFFF8000  }
0x43: {  	[tilespmem:s18], [sflag:$0x3] =	stream.linear.gather [hbm4b:s23+s4], $0x8000, $0x38;
	[tilespmem:$0x10200] =	vst v63  }
0x44: {  	_ =	swait.ge [sflag:s15], $0x8000  }
0x45: {  	[sflag:s15] =	ssyncset.done $0x0  }
0x46: {  	[sflag:s15] =	ssyncadd.s32 $0xFFFF8000  }
0x47: {  	[hbm4b:s3+s16] =	stream.indirect.scatter [tilespmem:s18], [sflag:$0x2], $0x800, s9, s16, $0xb8;
	[tilespmem:$0x10200] =	vst v63  }
0x48: {  	_ =	swait.ge [sflag:s12], $0x8000  }
0x49: {  	s28 =	sshll.u32 s28, $0x8;
	[sflag:s12] =	ssyncset.done $0x0  }
0x4a: {  	s24 =	sadd.s32 s24, s28;
	[sflag:s12] =	ssyncadd.s32 $0xFFFF8000  }
0x4b: {  	[tilespmem:s14], [sflag:$0x3] =	stream.linear.gather [hbm4b:s24+s4], $0x8000, $0x38;
	[tilespmem:$0x10200] =	vst v63  }
0x4c: {  	_ =	swait.ge [sflag:s15], $0x8000  }
0x4d: {  	[sflag:s15] =	ssyncset.done $0x0  }
0x4e: {  	[sflag:s15] =	ssyncadd.s32 $0xFFFF8000  }
0x4f: {  	[hbm4b:s2+s16] =	stream.indirect.scatter [tilespmem:s14], [sflag:$0x1], $0x800, s11, s16, $0xb8;
	[tilespmem:$0x10200] =	vst v63  }
0x50: {  	_ =	swait.ge [sflag:s20], $0x8000  }
0x51: {  	s26 =	ssub.s32 $0x2, s26;
	[sflag:s20] =	ssyncset.done $0x0  }
0x52: {  	s31 =	sshrl.u32 s26, $0x1;
	s25 =	sadd.s32 s25, s28;
	[sflag:s20] =	ssyncadd.s32 $0xFFFF8000  }
0x53: {  	[tilespmem:s18], [sflag:$0x3] =	stream.linear.gather [hbm4b:s25+s4], $0x8000, $0x38;
	[tilespmem:$0x10200] =	vst v63  }
0x54: {  	s26 =	ssub.s32 s26, s31;
	_ =	swait.ge [sflag:s15], $0x8000  }
0x55: {  	s26 =	smax.u32 s26, $0x1;
	[sflag:s15] =	ssyncset.done $0x0  }
0x56: {  	p0 =	sne.s32 s26, $0x1;
	[sflag:s15] =	ssyncadd.s32 $0xFFFF8000  }
0x57: {  	[hbm4b:s3+s16] =	stream.indirect.scatter [tilespmem:s18], [sflag:$0x2], $0x800, s11, s16, $0xb8;
	[tilespmem:$0x10200] =	vst v63  }
.Ltmp0:
0x58: {  	_ =	swait.ge [sflag:s12], $0x8000;
	(pc) =	sbr.rel @!p0 .LBB2_2-.Ltmp0, $4  }
0x59: {  	[sflag:s12] =	ssyncset.done $0x0  }
0x5a: {  	[sflag:s12] =	ssyncadd.s32 $0xFFFF8000  }
0x5b: {  	_ =	swait.ge [sflag:s20], $0x8000  }
0x5c: {  	s26 =	sadd.s32 $0xFFFFFFFF, s26;
	[sflag:s20] =	ssyncset.done $0x0  }
.LBB2_1:
0x5d: {  	p0 =	sne.s32 s26, $0x1;
	s26 =	sadd.s32 $0xFFFFFFFF, s26;
	[sflag:s20] =	ssyncadd.s32 $0xFFFF8000  }
0x5e: {  	[tilespmem:s4], [sflag:$0x1] =	stream.linear.gather [hbm4b:s5+s4], $0x10, $0x38;
	[tilespmem:$0x10200] =	vst v63  }
0x5f: {  	_ = 	snop  }
0x60: {  	[tilespmem:s7], [sflag:$0x1] =	stream.linear.gather [hbm4b:s6+s4], $0x10, $0x38;
	[tilespmem:$0x10200] =	vst v63  }
0x61: {  	_ = 	snop  }
0x62: {  	[tilespmem:s9], [sflag:$0x1] =	stream.linear.gather [hbm4b:s8+s4], $0x10, $0x38;
	[tilespmem:$0x10200] =	vst v63  }
0x63: {  	_ = 	snop  }
0x64: {  	[tilespmem:s11], [sflag:$0x1] =	stream.linear.gather [hbm4b:s10+s4], $0x10, $0x38;
	[tilespmem:$0x10200] =	vst v63  }
0x65: {  	_ =	swait.ge [sflag:s12], $0x10  }
0x66: {  	[sflag:s12] =	ssyncset.done $0x0  }
0x67: {  	[sflag:s12] =	ssyncadd.s32 $0xFFFFFFF0  }
0x68: {  	_ =	swait.ge [sflag:s12], $0x10  }
0x69: {  	[sflag:s12] =	ssyncset.done $0x0  }
0x6a: {  	[sflag:s12] =	ssyncadd.s32 $0xFFFFFFF0  }
0x6b: {  	_ =	swait.ge [sflag:s12], $0x10  }
0x6c: {  	[sflag:s12] =	ssyncset.done $0x0  }
0x6d: {  	[sflag:s12] =	ssyncadd.s32 $0xFFFFFFF0  }
0x6e: {  	_ =	swait.ge [sflag:s12], $0x10  }
0x6f: {  	[sflag:s12] =	ssyncset.done $0x0  }
0x70: {  	[sflag:s12] =	ssyncadd.s32 $0xFFFFFFF0  }
0x71: {  	[tilespmem:s14], [sflag:$0x3] =	stream.linear.gather [hbm4b:s13+s4], $0x8000, $0x38;
	[tilespmem:$0x10200] =	vst v63  }
0x72: {  	_ =	swait.ge [sflag:s15], $0x8000  }
0x73: {  	[sflag:s15] =	ssyncset.done $0x0  }
0x74: {  	[sflag:s15] =	ssyncadd.s32 $0xFFFF8000  }
0x75: {  	[hbm4b:s2+s16] =	stream.indirect.scatter [tilespmem:s14], [sflag:$0x1], $0x800, s4, s16, $0xb8;
	[tilespmem:$0x10200] =	vst v63  }
0x76: {  	_ = 	snop  }
0x77: {  	[tilespmem:s18], [sflag:$0x3] =	stream.linear.gather [hbm4b:s17+s4], $0x8000, $0x38;
	[tilespmem:$0x10200] =	vst v63  }
0x78: {  	_ =	swait.ge [sflag:s15], $0x8000  }
0x79: {  	[sflag:s15] =	ssyncset.done $0x0  }
0x7a: {  	[sflag:s15] =	ssyncadd.s32 $0xFFFF8000  }
0x7b: {  	[hbm4b:s3+s16] =	stream.indirect.scatter [tilespmem:s18], [sflag:$0x2], $0x800, s4, s16, $0xb8;
	[tilespmem:$0x10200] =	vst v63  }
0x7c: {  	_ =	swait.ge [sflag:s12], $0x8000  }
0x7d: {  	[sflag:s12] =	ssyncset.done $0x0  }
0x7e: {  	[sflag:s12] =	ssyncadd.s32 $0xFFFF8000  }
0x7f: {  	[tilespmem:s14], [sflag:$0x3] =	stream.linear.gather [hbm4b:s19+s4], $0x8000, $0x38;
	[tilespmem:$0x10200] =	vst v63  }
0x80: {  	_ =	swait.ge [sflag:s15], $0x8000  }
0x81: {  	[sflag:s15] =	ssyncset.done $0x0  }
0x82: {  	[sflag:s15] =	ssyncadd.s32 $0xFFFF8000  }
0x83: {  	[hbm4b:s2+s16] =	stream.indirect.scatter [tilespmem:s14], [sflag:$0x1], $0x800, s7, s16, $0xb8;
	[tilespmem:$0x10200] =	vst v63  }
0x84: {  	_ =	swait.ge [sflag:s20], $0x8000  }
0x85: {  	[sflag:s20] =	ssyncset.done $0x0  }
0x86: {  	[sflag:s20] =	ssyncadd.s32 $0xFFFF8000  }
0x87: {  	[tilespmem:s18], [sflag:$0x3] =	stream.linear.gather [hbm4b:s21+s4], $0x8000, $0x38;
	[tilespmem:$0x10200] =	vst v63  }
0x88: {  	_ =	swait.ge [sflag:s15], $0x8000  }
0x89: {  	[sflag:s15] =	ssyncset.done $0x0  }
0x8a: {  	[sflag:s15] =	ssyncadd.s32 $0xFFFF8000  }
0x8b: {  	[hbm4b:s3+s16] =	stream.indirect.scatter [tilespmem:s18], [sflag:$0x2], $0x800, s7, s16, $0xb8;
	[tilespmem:$0x10200] =	vst v63  }
0x8c: {  	_ =	swait.ge [sflag:s12], $0x8000  }
0x8d: {  	[sflag:s12] =	ssyncset.done $0x0  }
0x8e: {  	[sflag:s12] =	ssyncadd.s32 $0xFFFF8000  }
0x8f: {  	[tilespmem:s14], [sflag:$0x3] =	stream.linear.gather [hbm4b:s22+s4], $0x8000, $0x38;
	[tilespmem:$0x10200] =	vst v63  }
0x90: {  	_ =	swait.ge [sflag:s15], $0x8000  }
0x91: {  	[sflag:s15] =	ssyncset.done $0x0  }
0x92: {  	[sflag:s15] =	ssyncadd.s32 $0xFFFF8000  }
0x93: {  	[hbm4b:s2+s16] =	stream.indirect.scatter [tilespmem:s14], [sflag:$0x1], $0x800, s9, s16, $0xb8;
	[tilespmem:$0x10200] =	vst v63  }
0x94: {  	_ =	swait.ge [sflag:s20], $0x8000  }
0x95: {  	[sflag:s20] =	ssyncset.done $0x0  }
0x96: {  	[sflag:s20] =	ssyncadd.s32 $0xFFFF8000  }
0x97: {  	[tilespmem:s18], [sflag:$0x3] =	stream.linear.gather [hbm4b:s23+s4], $0x8000, $0x38;
	[tilespmem:$0x10200] =	vst v63  }
0x98: {  	_ =	swait.ge [sflag:s15], $0x8000  }
0x99: {  	[sflag:s15] =	ssyncset.done $0x0  }
0x9a: {  	[sflag:s15] =	ssyncadd.s32 $0xFFFF8000  }
0x9b: {  	[hbm4b:s3+s16] =	stream.indirect.scatter [tilespmem:s18], [sflag:$0x2], $0x800, s9, s16, $0xb8;
	[tilespmem:$0x10200] =	vst v63  }
0x9c: {  	_ =	swait.ge [sflag:s12], $0x8000  }
0x9d: {  	[sflag:s12] =	ssyncset.done $0x0  }
0x9e: {  	[sflag:s12] =	ssyncadd.s32 $0xFFFF8000  }
0x9f: {  	[tilespmem:s14], [sflag:$0x3] =	stream.linear.gather [hbm4b:s24+s4], $0x8000, $0x38;
	[tilespmem:$0x10200] =	vst v63  }
0xa0: {  	_ =	swait.ge [sflag:s15], $0x8000  }
0xa1: {  	[sflag:s15] =	ssyncset.done $0x0  }
0xa2: {  	[sflag:s15] =	ssyncadd.s32 $0xFFFF8000  }
0xa3: {  	[hbm4b:s2+s16] =	stream.indirect.scatter [tilespmem:s14], [sflag:$0x1], $0x800, s11, s16, $0xb8;
	[tilespmem:$0x10200] =	vst v63  }
0xa4: {  	_ =	swait.ge [sflag:s20], $0x8000  }
0xa5: {  	[sflag:s20] =	ssyncset.done $0x0  }
0xa6: {  	[sflag:s20] =	ssyncadd.s32 $0xFFFF8000  }
0xa7: {  	[tilespmem:s18], [sflag:$0x3] =	stream.linear.gather [hbm4b:s25+s4], $0x8000, $0x38;
	[tilespmem:$0x10200] =	vst v63  }
0xa8: {  	_ =	swait.ge [sflag:s15], $0x8000  }
0xa9: {  	[sflag:s15] =	ssyncset.done $0x0  }
0xaa: {  	[sflag:s15] =	ssyncadd.s32 $0xFFFF8000  }
0xab: {  	[hbm4b:s3+s16] =	stream.indirect.scatter [tilespmem:s18], [sflag:$0x2], $0x800, s11, s16, $0xb8;
	[tilespmem:$0x10200] =	vst v63  }
.Ltmp1:
0xac: {  	_ =	swait.ge [sflag:s12], $0x8000;
	(pc) =	sbr.rel @p0 .LBB2_1-.Ltmp1, $4  }
0xad: {  	[sflag:s12] =	ssyncset.done $0x0  }
0xae: {  	[sflag:s12] =	ssyncadd.s32 $0xFFFF8000  }
0xaf: {  	_ =	swait.ge [sflag:s20], $0x8000  }
0xb0: {  	[sflag:s20] =	ssyncset.done $0x0  }
.LBB2_2:
0xb1: {  	[sflag:s20] =	ssyncadd.s32 $0xFFFF8000  }
0xb2: {  	_ =	sfence.sel $0x180000  }
0xb3: {  	[bflag:$0x0] =	sbarrier.arrive $0xFFFF  }
0xb4: {  	p0 =	sne.s32 s0, $0x0;
	_ =	strace $0x90000047  }
0xb5: {  	s0 =	sadd.s32 @!p0 $0x100000, s1;
	[bflag:$0x2] =	sbarrier.arrive $0xFFFF  }
0xb6: {  	[sflag:s0] =	ssyncadd.tile.s32 @!p0 $0x1;
	_ =	shalt  }
.Lfunc_end2:
_tile_overlayer_lowered:
.L_overlay_start_2:
0xb7: {  	(tag) =	ssettag $0x2  }
0xb8: {  	s0 =	rddreg [dreg:$0x0];
	s2 =	stileid.u32  }
0xb9: {  	s1 =	rddreg [dreg:$0x1];
	p0 =	sne.s32 s2, $0x0  }
0xba: {  	s3 =	rddreg [dreg:$0x2];
	[bflag:$0x3] =	sbarrier.arrive $0xFFFF;
	s2 =	simm.s32 @!p0 $0x1C03  }
0xbb: {  	[timem:s3], [sflag:s2] =	dma.local @!p0 [hbm:s0], s1  }
0xbc: {  	s0 =	simm.s32 @!p0 $0x3  }
0xbd: {  	_ =	swait.ge @!p0 [sflag:s0], s1  }
0xbe: {  	s1 =	ssub.s32 @!p0 $0x0, s1;
	[sflag:s0] =	ssyncset.done @!p0 $0x0  }
0xbf: {  	[sflag:s0] =	ssyncadd.s32 @!p0 s1  }
0xc0: {  	[bflag:$0x3] =	sbarrier.arrive $0xFFFF  }
0xc1: {  	_ =	shalt  }

</sc_bundles>
